<compile_context>
chip_gen: v7x
topology: tpu7x:2x2x1
jax: 0.10.2.dev20260603
libtpu: 0.0.44.dev20260713+nightly
codegen_flags: <defaults>
</compile_context>

<pallas_src>
import jax
import jax.numpy as jnp
from jax import lax
from jax.experimental import pallas as pl
from jax.experimental.pallas import tpu as pltpu
from jax.experimental.pallas import tpu_sc as plsc

_N = 512
_E = 16384
_NE = _N * (_N - 1) // 2 + _N
_NSUB = 16
_NCORE = 2
_EPW = _E // (_NSUB * _NCORE)
_ZCHUNK = _N * _N // _NSUB


def _sc_count_body(edges, zeros, out, srcv, dstv, idxv, valv, shared):
    cid = lax.axis_index("c")
    sid = lax.axis_index("s")
    wid = cid * _NSUB + sid

    pltpu.sync_copy(zeros, shared.at[pl.ds(sid * _ZCHUNK, _ZCHUNK)])
    for j in range(8):
        valv[pl.ds(j * 16, 16)] = jnp.full((16,), 1.0, jnp.float32)
    plsc.subcore_barrier()

    base = wid * _EPW
    pltpu.sync_copy(edges.at[pl.ds(base, _EPW)], srcv)
    pltpu.sync_copy(edges.at[pl.ds(_E + base, _EPW)], dstv)

    for c in range(_EPW // 128):
        for j in range(8):
            o = c * 128 + j * 16
            d = dstv[pl.ds(o, 16)]
            s = srcv[pl.ds(o, 16)]
            idxv[pl.ds(j * 16, 16)] = d * _N + s
        pltpu.sync_copy(valv, shared.at[idxv], add=True)
    plsc.subcore_barrier()

    pltpu.sync_copy(shared.at[pl.ds(sid * _ZCHUNK, _ZCHUNK)],
                    out.at[cid, pl.ds(sid * _ZCHUNK, _ZCHUNK)])


def _sc_count(edges_flat, zeros):
    mesh = plsc.VectorSubcoreMesh(core_axis_name="c", subcore_axis_name="s")
    k = pl.kernel(
        _sc_count_body,
        out_type=jax.ShapeDtypeStruct((_NCORE, _N * _N), jnp.float32),
        mesh=mesh,
        scratch_types=[
            pltpu.VMEM((_EPW,), jnp.int32),
            pltpu.VMEM((_EPW,), jnp.int32),
            pltpu.VMEM((128,), jnp.int32),
            pltpu.VMEM((128,), jnp.float32),
            pltpu.VMEM_SHARED((_N * _N,), jnp.float32),
        ],
    )
    return k(edges_flat, zeros)


def _enc_body(c0, c1, x, y,
              w1s, b1s, g1s, be1s, w2s, b2s, g2s, be2s,
              w1ya, w1yb, b1y, g1y, be1y, w2y, b2y, g2y, be2y,
              attn, wmus, bmus, wlvs, blvs, wmuy, bmuy, wlvy, blvy,
              n1, n2, w1a, b1a, vout):
    f32 = jnp.float32
    C = c0[...] + c1[...]
    ri = lax.broadcasted_iota(jnp.int32, (_N, _N), 0)
    ci = lax.broadcasted_iota(jnp.int32, (_N, _N), 1)
    eye = (ri == ci).astype(f32)

    deg = 1.0 + jnp.sum(C, axis=1, keepdims=True)
    dinv = 1.0 / jnp.sqrt(deg)
    dinv_row = jnp.sum(eye * dinv, axis=0, keepdims=True)
    S = dinv * C * dinv_row + eye * (dinv * dinv)

    def mm(a, b):
        return jnp.dot(a, b, preferred_element_type=f32,
                       precision=lax.Precision.HIGHEST)

    bf = jnp.bfloat16

    def rb(a):
        return a.astype(bf).astype(f32)

    def mmr(a, b):
        return jnp.dot(a.astype(bf), b.astype(bf), preferred_element_type=f32)

    def bnorm(h, g, be):
        m = jnp.mean(h, axis=0, keepdims=True)
        d = h - m
        var = jnp.mean(d * d, axis=0, keepdims=True)
        return d / jnp.sqrt(var + 1e-5) * g[...] + be[...]

    def branch(h0, b1, g1, be1, w2, b2, g2, be2):
        h = mm(S, h0) + b1[...]
        h = bnorm(h, g1, be1)
        h = mm(S, mmr(jnp.abs(h), w2[...])) + b2[...]
        h = bnorm(h, g2, be2)
        h = jnp.maximum(h, 0.0)
        t = jnp.sum(rb(h) * rb(attn[...]), axis=1, keepdims=True)
        t = t - jnp.max(t, axis=0, keepdims=True)
        e = jnp.exp(t)
        s = e / jnp.sum(e, axis=0, keepdims=True)
        return s * jnp.sum(h, axis=1, keepdims=True)

    xa = jnp.abs(x[...])
    pS = branch(mmr(xa, w1s[...]), b1s, g1s, be1s, w2s, b2s, g2s, be2s)
    h0y = mmr(xa, w1ya[...]) + rb(jnp.abs(y[...])) * rb(w1yb[...])
    pY = branch(h0y, b1y, g1y, be1y, w2y, b2y, g2y, be2y)

    def head(p, wmu, bmu, wlv, blv, nz):
        pr = rb(p)
        mu = jnp.sum(rb(wmu[...]) * pr, axis=0, keepdims=True) + bmu[...]
        lv = jnp.sum(rb(wlv[...]) * pr, axis=0, keepdims=True) + blv[...]
        return mu + jnp.exp(0.5 * lv) * nz[...]

    uS = head(pS, wmus, bmus, wlvs, blvs, n1)
    uY = head(pY, wmuy, bmuy, wlvy, blvy, n2)
    lat = jnp.concatenate([uS, uY], axis=1)
    vout[...] = mmr(lat, w1a[...]) + b1a[...]


def _encoder(args):
    return pl.pallas_call(
        _enc_body,
        out_shape=jax.ShapeDtypeStruct((1, _N), jnp.float32),
    )(*args)


_BW = 3456
_NBLK = _NE // _BW
_NCHUNK = 3
_LPAD = 131584
_WIN = _N + 128


def _dec_body(v, w, b, a, l_scr, rptr):
    k = pl.program_id(0)
    vb = v[...].astype(jnp.bfloat16)
    cs = _BW // _NCHUNK
    for c in range(_NCHUNK):
        wc = w[:, c * cs:(c + 1) * cs].astype(jnp.bfloat16)
        lc = jnp.dot(vb, wc, preferred_element_type=jnp.float32)[:1]
        l_scr[:, pl.ds(pl.multiple_of(k * _BW + c * cs, 128), cs)] = (
            lc + b[:, c * cs:(c + 1) * cs])

    @pl.when(k == 0)
    def _():
        rptr[0] = 0

    colid = lax.broadcasted_iota(jnp.int32, (1, _N), 1)
    end = (k + 1) * _BW

    def cond(r):
        return jnp.logical_and(r < _N, (r * r + 3 * r + 2) // 2 <= end)

    def body(r):
        start = (r * (r + 1)) // 2
        base = pl.multiple_of((start // 128) * 128, 128)
        off = start - base
        win = l_scr[:, pl.ds(base, _WIN)]
        row = pltpu.roll(win, lax.rem(_WIN - off, _WIN), axis=1)[:, :_N]
        a[pl.ds(r, 1), :] = jnp.where(colid <= r, row, 0.0)
        return r + 1

    rptr[0] = lax.while_loop(cond, body, rptr[0])


def _decode(v, w2a, b2a_row):
    v8 = jnp.broadcast_to(v, (8, _N))
    return pl.pallas_call(
        _dec_body,
        grid=(_NBLK,),
        in_specs=[
            pl.BlockSpec((8, _N), lambda i: (0, 0)),
            pl.BlockSpec((_N, _BW), lambda i: (0, i)),
            pl.BlockSpec((1, _BW), lambda i: (0, i)),
        ],
        out_specs=pl.BlockSpec((_N, _N), lambda i: (0, 0)),
        out_shape=jax.ShapeDtypeStruct((_N, _N), jnp.float32),
        scratch_shapes=[
            pltpu.VMEM((1, _LPAD), jnp.float32),
            pltpu.SMEM((1,), jnp.int32),
        ],
    )(v8, w2a, b2a_row)


def kernel(X, edge_index, Y, W1S, b1S, g1S, be1S, W2S, b2S, g2S, be2S,
           W1Y, b1Y, g1Y, be1Y, W2Y, b2Y, g2Y, be2Y, attn_w,
           WmuS, bmuS, WlvS, blvS, WmuY, bmuY, WlvY, blvY, W1A, b1A, W2A, b2A):
    f32 = jnp.float32
    counts = _sc_count(edge_index.reshape(-1), jnp.zeros((_ZCHUNK,), f32))
    c0 = counts[0].reshape(_N, _N)
    c1 = counts[1].reshape(_N, _N)

    n1 = jax.random.normal(jax.random.key(1), (1, 128), f32)
    n2 = jax.random.normal(jax.random.key(2), (1, 128), f32)

    row = lambda a: a.reshape(1, -1)
    args = (c0, c1, X, Y.reshape(_N, 1),
            W1S, row(b1S), row(g1S), row(be1S),
            W2S, row(b2S), row(g2S), row(be2S),
            W1Y[:_N], row(W1Y[_N]), row(b1Y), row(g1Y), row(be1Y),
            W2Y, row(b2Y), row(g2Y), row(be2Y),
            row(attn_w),
            WmuS, row(bmuS), WlvS, row(blvS),
            WmuY, row(bmuY), WlvY, row(blvY),
            n1, n2, W1A, row(b1A))
    v = _encoder(args)
    return _decode(v, W2A, b2A.reshape(1, _NE))

# --- scband reference (transcript-rebuilt; emitter-appended) ---
"""Pipeline reference for scband-graph-vae-80917183856841 (READ-ONLY COPY).

The authoritative reference and input builder live on the scoring server;
editing this copy changes nothing except your own understanding.
"""

import jax, jax.numpy as jnp
import numpy as np

N = 512
E = 16384
F = 512
H = 512
LS = 128
LY = 128
NE = N * (N - 1) // 2 + N

def setup_inputs():
    ks = jax.random.split(jax.random.key(0), 40)
    f32 = jnp.float32
    def w(i, shp, s=0.05):
        return jax.random.normal(ks[i], shp, dtype=f32) * s
    inp = {}
    inp['X'] = jax.random.normal(ks[0], (N, F), dtype=f32)
    inp['edge_index'] = jax.random.randint(ks[1], (2, E), 0, N, dtype=jnp.int32)
    inp['Y'] = jax.random.uniform(ks[2], (N, 1), dtype=f32)
    inp['W1S'] = w(3, (F, H)); inp['b1S'] = jnp.zeros((H,), f32)
    inp['g1S'] = jnp.ones((H,), f32); inp['be1S'] = jnp.zeros((H,), f32)
    inp['W2S'] = w(4, (H, H)); inp['b2S'] = jnp.zeros((H,), f32)
    inp['g2S'] = jnp.ones((H,), f32); inp['be2S'] = jnp.zeros((H,), f32)
    inp['W1Y'] = w(5, (F + 1, H)); inp['b1Y'] = jnp.zeros((H,), f32)
    inp['g1Y'] = jnp.ones((H,), f32); inp['be1Y'] = jnp.zeros((H,), f32)
    inp['W2Y'] = w(6, (H, H)); inp['b2Y'] = jnp.zeros((H,), f32)
    inp['g2Y'] = jnp.ones((H,), f32); inp['be2Y'] = jnp.zeros((H,), f32)
    inp['attn_w'] = w(7, (H,), 1.0)
    inp['WmuS'] = w(8, (N, LS)); inp['bmuS'] = jnp.zeros((LS,), f32)
    inp['WlvS'] = w(9, (N, LS)); inp['blvS'] = jnp.zeros((LS,), f32)
    inp['WmuY'] = w(10, (N, LY)); inp['bmuY'] = jnp.zeros((LY,), f32)
    inp['WlvY'] = w(11, (N, LY)); inp['blvY'] = jnp.zeros((LY,), f32)
    inp['W1A'] = w(12, (LS + LY, 512)); inp['b1A'] = jnp.zeros((512,), f32)
    inp['W2A'] = w(13, (512, NE), 0.01); inp['b2A'] = jnp.zeros((NE,), f32)
    return inp

def reference(X, edge_index, Y, W1S, b1S, g1S, be1S, W2S, b2S, g2S, be2S, W1Y, b1Y, g1Y, be1Y, W2Y, b2Y, g2Y, be2Y, attn_w, WmuS, bmuS, WlvS, blvS, WmuY, bmuY, WlvY, blvY, W1A, b1A, W2A, b2A):
    n = X.shape[0]
    loop = jnp.arange(n, dtype=edge_index.dtype)
    src = jnp.concatenate([edge_index[0], loop])
    dst = jnp.concatenate([edge_index[1], loop])
    deg = jnp.zeros((n,), jnp.float32).at[dst].add(1.0)
    dinv = jnp.where(deg > 0, 1.0 / jnp.sqrt(deg), 0.0)
    norm = dinv[src] * dinv[dst]
    def gcn(x, W, b):
        h = x @ W
        return jnp.zeros((n, W.shape[1]), h.dtype).at[dst].add(h[src] * norm[:, None]) + b
    def bn(x, g, b):
        return (x - jnp.mean(x, axis=0)) / jnp.sqrt(jnp.var(x, axis=0) + 1e-5) * g + b
    def pool(x):
        s = jax.nn.softmax(x @ attn_w, axis=0)
        return (x * s[:, None]).sum(axis=1)
    # encode u_S
    h = gcn(jnp.abs(X), W1S, b1S); h = bn(h, g1S, be1S)
    h = gcn(jnp.abs(h), W2S, b2S); h = bn(h, g2S, be2S)
    h = jax.nn.relu(h)
    pS = pool(h).reshape(1, n)
    muS = pS @ WmuS + bmuS
    lvS = pS @ WlvS + blvS
    uS = muS + jnp.exp(0.5 * lvS) * jax.random.normal(jax.random.key(1), muS.shape, jnp.float32)
    # encode u_Y
    feat = jnp.concatenate([X, Y], axis=1)
    h = gcn(jnp.abs(feat), W1Y, b1Y); h = bn(h, g1Y, be1Y)
    h = gcn(jnp.abs(h), W2Y, b2Y); h = bn(h, g2Y, be2Y)
    h = jax.nn.relu(h)
    pY = pool(h).reshape(1, n)
    muY = pY @ WmuY + bmuY
    lvY = pY @ WlvY + blvY
    uY = muY + jnp.exp(0.5 * lvY) * jax.random.normal(jax.random.key(2), muY.shape, jnp.float32)
    # decode A
    lat = jnp.concatenate([uS, uY], axis=1)
    l = (lat @ W1A + b1A) @ W2A + b2A
    tril = jnp.tril_indices(n)
    A = jnp.zeros((n, n), jnp.float32).at[tril].set(l[0])
    return A

if __name__ == "__main__":
    import jax
    _d = setup_inputs()
    print(jax.jit(kernel)(*tuple(_d.values())))

</pallas_src>

<mosaic_0001>
#map = affine_map<(d0, d1) -> (0)>
#map1 = affine_map<(d0, d1) -> (0, 0)>
module attributes {stable_mosaic.version = 14 : i64} {
  func.func @_sc_count_body(%arg0: i32, %arg1: i32, %arg2: memref<32768xi32, #tpu.memory_space<hbm>>, %arg3: memref<16384xf32, #tpu.memory_space<hbm>>, %arg4: memref<2x262144xf32, #tpu.memory_space<hbm>>, %arg5: memref<512xi32, #tpu.memory_space<vmem>>, %arg6: memref<512xi32, #tpu.memory_space<vmem>>, %arg7: memref<128xi32, #tpu.memory_space<vmem>>, %arg8: memref<128xf32, #tpu.memory_space<vmem>>, %arg9: memref<262144xf32, #tpu.memory_space<vmem_shared>>) attributes {dimension_semantics = [#tpu.dimension_semantics<core_parallel>, #tpu.dimension_semantics<subcore_parallel>], iteration_bounds = array<i64: 2, 16>, scalar_prefetch = 0 : i64, scratch_operands = 5 : i64, tpu.core_type = #tpu.core_type<sc_vector_subcore>, window_params = [{transform_indices = #map}, {transform_indices = #map}, {transform_indices = #map1}]} {
    %mul3A = arith.constant 16 : i32
    %mul3A_0 = arith.muli %arg0, %mul3A : i32
    %add3A = arith.addi %mul3A_0, %arg1 : i32
    %mul3A_1 = arith.constant 16384 : i32
    %mul3A_2 = arith.muli %arg1, %mul3A_1 : i32
    "tpu.region"() ({
      %run_scoped3A = tpu.sem_alloc : memref<!tpu.dma_semaphore, #tpu.memory_space<semaphore_mem>>
      %dma_start3A = tpu.memref_slice %arg9[%mul3A_2] : memref<262144xf32, #tpu.memory_space<vmem_shared>> -> memref<16384xf32, #tpu.memory_space<vmem_shared>>
      tpu.enqueue_dma source(%arg3 : memref<16384xf32, #tpu.memory_space<hbm>>) target(%dma_start3A : memref<16384xf32, #tpu.memory_space<vmem_shared>>) target_semaphore(%run_scoped3A : memref<!tpu.dma_semaphore, #tpu.memory_space<semaphore_mem>>)
      %dma_wait3A = tpu.memref_slice %arg9[%mul3A_2] : memref<262144xf32, #tpu.memory_space<vmem_shared>> -> memref<16384xf32, #tpu.memory_space<vmem_shared>>
      tpu.wait_dma2 semaphore(%run_scoped3A : memref<!tpu.dma_semaphore, #tpu.memory_space<semaphore_mem>>) src(%arg3 : memref<16384xf32, #tpu.memory_space<hbm>>) dst(%dma_wait3A : memref<16384xf32, #tpu.memory_space<vmem_shared>>)
      tpu.yield
    }) : () -> ()
    %broadcast_in_dim3A = arith.constant 1.000000e+00 : f32
    %broadcast_in_dim3A_3 = vector.broadcast %broadcast_in_dim3A : f32 to vector<16xf32>
    %swap3A = arith.constant 0 : index
    %swap3A_4 = tpu.vector_load %arg8[%swap3A] {strides = array<i32>} : memref<128xf32, #tpu.memory_space<vmem>>, vector<16xf32>,
    %swap3A_5 = vector.shape_cast %swap3A_4 : vector<16xf32> to vector<16xf32>
    %swap3A_6 = vector.shape_cast %broadcast_in_dim3A_3 : vector<16xf32> to vector<16xf32>
    tpu.vector_store %arg8[%swap3A], %swap3A_6 {strides = array<i32>} : memref<128xf32, #tpu.memory_space<vmem>>, vector<16xf32>,
    %broadcast_in_dim3A_7 = arith.constant 1.000000e+00 : f32
    %broadcast_in_dim3A_8 = vector.broadcast %broadcast_in_dim3A_7 : f32 to vector<16xf32>
    %swap3A_9 = arith.constant 16 : index
    %swap3A_10 = tpu.vector_load %arg8[%swap3A_9] {strides = array<i32>} : memref<128xf32, #tpu.memory_space<vmem>>, vector<16xf32>,
    %swap3A_11 = vector.shape_cast %swap3A_10 : vector<16xf32> to vector<16xf32>
    %swap3A_12 = vector.shape_cast %broadcast_in_dim3A_8 : vector<16xf32> to vector<16xf32>
    tpu.vector_store %arg8[%swap3A_9], %swap3A_12 {strides = array<i32>} : memref<128xf32, #tpu.memory_space<vmem>>, vector<16xf32>,
    %broadcast_in_dim3A_13 = arith.constant 1.000000e+00 : f32
    %broadcast_in_dim3A_14 = vector.broadcast %broadcast_in_dim3A_13 : f32 to vector<16xf32>
    %swap3A_15 = arith.constant 32 : index
    %swap3A_16 = tpu.vector_load %arg8[%swap3A_15] {strides = array<i32>} : memref<128xf32, #tpu.memory_space<vmem>>, vector<16xf32>,
    %swap3A_17 = vector.shape_cast %swap3A_16 : vector<16xf32> to vector<16xf32>
    %swap3A_18 = vector.shape_cast %broadcast_in_dim3A_14 : vector<16xf32> to vector<16xf32>
    tpu.vector_store %arg8[%swap3A_15], %swap3A_18 {strides = array<i32>} : memref<128xf32, #tpu.memory_space<vmem>>, vector<16xf32>,
    %broadcast_in_dim3A_19 = arith.constant 1.000000e+00 : f32
    %broadcast_in_dim3A_20 = vector.broadcast %broadcast_in_dim3A_19 : f32 to vector<16xf32>
    %swap3A_21 = arith.constant 48 : index
    %swap3A_22 = tpu.vector_load %arg8[%swap3A_21] {strides = array<i32>} : memref<128xf32, #tpu.memory_space<vmem>>, vector<16xf32>,
    %swap3A_23 = vector.shape_cast %swap3A_22 : vector<16xf32> to vector<16xf32>
    %swap3A_24 = vector.shape_cast %broadcast_in_dim3A_20 : vector<16xf32> to vector<16xf32>
    tpu.vector_store %arg8[%swap3A_21], %swap3A_24 {strides = array<i32>} : memref<128xf32, #tpu.memory_space<vmem>>, vector<16xf32>,
    %broadcast_in_dim3A_25 = arith.constant 1.000000e+00 : f32
    %broadcast_in_dim3A_26 = vector.broadcast %broadcast_in_dim3A_25 : f32 to vector<16xf32>
    %swap3A_27 = arith.constant 64 : index
    %swap3A_28 = tpu.vector_load %arg8[%swap3A_27] {strides = array<i32>} : memref<128xf32, #tpu.memory_space<vmem>>, vector<16xf32>,
    %swap3A_29 = vector.shape_cast %swap3A_28 : vector<16xf32> to vector<16xf32>
    %swap3A_30 = vector.shape_cast %broadcast_in_dim3A_26 : vector<16xf32> to vector<16xf32>
    tpu.vector_store %arg8[%swap3A_27], %swap3A_30 {strides = array<i32>} : memref<128xf32, #tpu.memory_space<vmem>>, vector<16xf32>,
    %broadcast_in_dim3A_31 = arith.constant 1.000000e+00 : f32
    %broadcast_in_dim3A_32 = vector.broadcast %broadcast_in_dim3A_31 : f32 to vector<16xf32>
    %swap3A_33 = arith.constant 80 : index
    %swap3A_34 = tpu.vector_load %arg8[%swap3A_33] {strides = array<i32>} : memref<128xf32, #tpu.memory_space<vmem>>, vector<16xf32>,
    %swap3A_35 = vector.shape_cast %swap3A_34 : vector<16xf32> to vector<16xf32>
    %swap3A_36 = vector.shape_cast %broadcast_in_dim3A_32 : vector<16xf32> to vector<16xf32>
    tpu.vector_store %arg8[%swap3A_33], %swap3A_36 {strides = array<i32>} : memref<128xf32, #tpu.memory_space<vmem>>, vector<16xf32>,
    %broadcast_in_dim3A_37 = arith.constant 1.000000e+00 : f32
    %broadcast_in_dim3A_38 = vector.broadcast %broadcast_in_dim3A_37 : f32 to vector<16xf32>
    %swap3A_39 = arith.constant 96 : index
    %swap3A_40 = tpu.vector_load %arg8[%swap3A_39] {strides = array<i32>} : memref<128xf32, #tpu.memory_space<vmem>>, vector<16xf32>,
    %swap3A_41 = vector.shape_cast %swap3A_40 : vector<16xf32> to vector<16xf32>
    %swap3A_42 = vector.shape_cast %broadcast_in_dim3A_38 : vector<16xf32> to vector<16xf32>
    tpu.vector_store %arg8[%swap3A_39], %swap3A_42 {strides = array<i32>} : memref<128xf32, #tpu.memory_space<vmem>>, vector<16xf32>,
    %broadcast_in_dim3A_43 = arith.constant 1.000000e+00 : f32
    %broadcast_in_dim3A_44 = vector.broadcast %broadcast_in_dim3A_43 : f32 to vector<16xf32>
    %swap3A_45 = arith.constant 112 : index
    %swap3A_46 = tpu.vector_load %arg8[%swap3A_45] {strides = array<i32>} : memref<128xf32, #tpu.memory_space<vmem>>, vector<16xf32>,
    %swap3A_47 = vector.shape_cast %swap3A_46 : vector<16xf32> to vector<16xf32>
    %swap3A_48 = vector.shape_cast %broadcast_in_dim3A_44 : vector<16xf32> to vector<16xf32>
    tpu.vector_store %arg8[%swap3A_45], %swap3A_48 {strides = array<i32>} : memref<128xf32, #tpu.memory_space<vmem>>, vector<16xf32>,
    %barrier3A = arith.constant 0 : index
    tpu.barrier barrier_id(%barrier3A)
    %mul3A_49 = arith.constant 512 : i32
    %mul3A_50 = arith.muli %add3A, %mul3A_49 : i32
    "tpu.region"() ({
      %run_scoped3A = tpu.sem_alloc : memref<!tpu.dma_semaphore, #tpu.memory_space<semaphore_mem>>
      %dma_start3A = tpu.memref_slice %arg2[%mul3A_50] : memref<32768xi32, #tpu.memory_space<hbm>> -> memref<512xi32, #tpu.memory_space<hbm>>
      %dma_start3A_505 = tpu.memref_slice %arg2[%mul3A_50] : memref<32768xi32, #tpu.memory_space<hbm>> -> memref<512xi32, #tpu.memory_space<hbm>>
      tpu.enqueue_dma source(%dma_start3A_505 : memref<512xi32, #tpu.memory_space<hbm>>) target(%arg5 : memref<512xi32, #tpu.memory_space<vmem>>) target_semaphore(%run_scoped3A : memref<!tpu.dma_semaphore, #tpu.memory_space<semaphore_mem>>)
      %dma_wait3A = tpu.memref_slice %arg2[%mul3A_50] : memref<32768xi32, #tpu.memory_space<hbm>> -> memref<512xi32, #tpu.memory_space<hbm>>
      %dma_wait3A_506 = tpu.memref_slice %arg2[%mul3A_50] : memref<32768xi32, #tpu.memory_space<hbm>> -> memref<512xi32, #tpu.memory_space<hbm>>
      tpu.wait_dma2 semaphore(%run_scoped3A : memref<!tpu.dma_semaphore, #tpu.memory_space<semaphore_mem>>) src(%dma_wait3A_506 : memref<512xi32, #tpu.memory_space<hbm>>) dst(%arg5 : memref<512xi32, #tpu.memory_space<vmem>>)
      tpu.yield
    }) : () -> ()
    %add3A_51 = arith.constant 16384 : i32
    %add3A_52 = arith.addi %add3A_51, %mul3A_50 : i32
    "tpu.region"() ({
      %run_scoped3A = tpu.sem_alloc : memref<!tpu.dma_semaphore, #tpu.memory_space<semaphore_mem>>
      %dma_start3A = tpu.memref_slice %arg2[%add3A_52] : memref<32768xi32, #tpu.memory_space<hbm>> -> memref<512xi32, #tpu.memory_space<hbm>>
      %dma_start3A_505 = tpu.memref_slice %arg2[%add3A_52] : memref<32768xi32, #tpu.memory_space<hbm>> -> memref<512xi32, #tpu.memory_space<hbm>>
      tpu.enqueue_dma source(%dma_start3A_505 : memref<512xi32, #tpu.memory_space<hbm>>) target(%arg6 : memref<512xi32, #tpu.memory_space<vmem>>) target_semaphore(%run_scoped3A : memref<!tpu.dma_semaphore, #tpu.memory_space<semaphore_mem>>)
      %dma_wait3A = tpu.memref_slice %arg2[%add3A_52] : memref<32768xi32, #tpu.memory_space<hbm>> -> memref<512xi32, #tpu.memory_space<hbm>>
      %dma_wait3A_506 = tpu.memref_slice %arg2[%add3A_52] : memref<32768xi32, #tpu.memory_space<hbm>> -> memref<512xi32, #tpu.memory_space<hbm>>
      tpu.wait_dma2 semaphore(%run_scoped3A : memref<!tpu.dma_semaphore, #tpu.memory_space<semaphore_mem>>) src(%dma_wait3A_506 : memref<512xi32, #tpu.memory_space<hbm>>) dst(%arg6 : memref<512xi32, #tpu.memory_space<vmem>>)
      tpu.yield
    }) : () -> ()
    %get3A = arith.constant 0 : index
    %get3A_53 = tpu.vector_load %arg6[%get3A] {strides = array<i32>} : memref<512xi32, #tpu.memory_space<vmem>>, vector<16xi32>,
    %get3A_54 = vector.shape_cast %get3A_53 : vector<16xi32> to vector<16xi32>
    %get3A_55 = arith.constant 0 : index
    %get3A_56 = tpu.vector_load %arg5[%get3A_55] {strides = array<i32>} : memref<512xi32, #tpu.memory_space<vmem>>, vector<16xi32>,
    %get3A_57 = vector.shape_cast %get3A_56 : vector<16xi32> to vector<16xi32>
    %mul3A_58 = arith.constant 512 : i32
    %mul3A_59 = vector.broadcast %mul3A_58 : i32 to vector<16xi32>
    %mul3A_60 = arith.muli %get3A_54, %mul3A_59 : vector<16xi32>
    %add3A_61 = arith.addi %mul3A_60, %get3A_57 : vector<16xi32>
    %swap3A_62 = arith.constant 0 : index
    %swap3A_63 = tpu.vector_load %arg7[%swap3A_62] {strides = array<i32>} : memref<128xi32, #tpu.memory_space<vmem>>, vector<16xi32>,
    %swap3A_64 = vector.shape_cast %swap3A_63 : vector<16xi32> to vector<16xi32>
    %swap3A_65 = vector.shape_cast %add3A_61 : vector<16xi32> to vector<16xi32>
    tpu.vector_store %arg7[%swap3A_62], %swap3A_65 {strides = array<i32>} : memref<128xi32, #tpu.memory_space<vmem>>, vector<16xi32>,
    %get3A_66 = arith.constant 16 : index
    %get3A_67 = tpu.vector_load %arg6[%get3A_66] {strides = array<i32>} : memref<512xi32, #tpu.memory_space<vmem>>, vector<16xi32>,
    %get3A_68 = vector.shape_cast %get3A_67 : vector<16xi32> to vector<16xi32>
    %get3A_69 = arith.constant 16 : index
    %get3A_70 = tpu.vector_load %arg5[%get3A_69] {strides = array<i32>} : memref<512xi32, #tpu.memory_space<vmem>>, vector<16xi32>,
    %get3A_71 = vector.shape_cast %get3A_70 : vector<16xi32> to vector<16xi32>
    %mul3A_72 = arith.constant 512 : i32
    %mul3A_73 = vector.broadcast %mul3A_72 : i32 to vector<16xi32>
    %mul3A_74 = arith.muli %get3A_68, %mul3A_73 : vector<16xi32>
    %add3A_75 = arith.addi %mul3A_74, %get3A_71 : vector<16xi32>
    %swap3A_76 = arith.constant 16 : index
    %swap3A_77 = tpu.vector_load %arg7[%swap3A_76] {strides = array<i32>} : memref<128xi32, #tpu.memory_space<vmem>>, vector<16xi32>,
    %swap3A_78 = vector.shape_cast %swap3A_77 : vector<16xi32> to vector<16xi32>
    %swap3A_79 = vector.shape_cast %add3A_75 : vector<16xi32> to vector<16xi32>
    tpu.vector_store %arg7[%swap3A_76], %swap3A_79 {strides = array<i32>} : memref<128xi32, #tpu.memory_space<vmem>>, vector<16xi32>,
    %get3A_80 = arith.constant 32 : index
    %get3A_81 = tpu.vector_load %arg6[%get3A_80] {strides = array<i32>} : memref<512xi32, #tpu.memory_space<vmem>>, vector<16xi32>,
    %get3A_82 = vector.shape_cast %get3A_81 : vector<16xi32> to vector<16xi32>
    %get3A_83 = arith.constant 32 : index
    %get3A_84 = tpu.vector_load %arg5[%get3A_83] {strides = array<i32>} : memref<512xi32, #tpu.memory_space<vmem>>, vector<16xi32>,
    %get3A_85 = vector.shape_cast %get3A_84 : vector<16xi32> to vector<16xi32>
    %mul3A_86 = arith.constant 512 : i32
    %mul3A_87 = vector.broadcast %mul3A_86 : i32 to vector<16xi32>
    %mul3A_88 = arith.muli %get3A_82, %mul3A_87 : vector<16xi32>
    %add3A_89 = arith.addi %mul3A_88, %get3A_85 : vector<16xi32>
    %swap3A_90 = arith.constant 32 : index
    %swap3A_91 = tpu.vector_load %arg7[%swap3A_90] {strides = array<i32>} : memref<128xi32, #tpu.memory_space<vmem>>, vector<16xi32>,
    %swap3A_92 = vector.shape_cast %swap3A_91 : vector<16xi32> to vector<16xi32>
    %swap3A_93 = vector.shape_cast %add3A_89 : vector<16xi32> to vector<16xi32>
    tpu.vector_store %arg7[%swap3A_90], %swap3A_93 {strides = array<i32>} : memref<128xi32, #tpu.memory_space<vmem>>, vector<16xi32>,
    %get3A_94 = arith.constant 48 : index
    %get3A_95 = tpu.vector_load %arg6[%get3A_94] {strides = array<i32>} : memref<512xi32, #tpu.memory_space<vmem>>, vector<16xi32>,
    %get3A_96 = vector.shape_cast %get3A_95 : vector<16xi32> to vector<16xi32>
    %get3A_97 = arith.constant 48 : index
    %get3A_98 = tpu.vector_load %arg5[%get3A_97] {strides = array<i32>} : memref<512xi32, #tpu.memory_space<vmem>>, vector<16xi32>,
    %get3A_99 = vector.shape_cast %get3A_98 : vector<16xi32> to vector<16xi32>
    %mul3A_100 = arith.constant 512 : i32
    %mul3A_101 = vector.broadcast %mul3A_100 : i32 to vector<16xi32>
    %mul3A_102 = arith.muli %get3A_96, %mul3A_101 : vector<16xi32>
    %add3A_103 = arith.addi %mul3A_102, %get3A_99 : vector<16xi32>
    %swap3A_104 = arith.constant 48 : index
    %swap3A_105 = tpu.vector_load %arg7[%swap3A_104] {strides = array<i32>} : memref<128xi32, #tpu.memory_space<vmem>>, vector<16xi32>,
    %swap3A_106 = vector.shape_cast %swap3A_105 : vector<16xi32> to vector<16xi32>
    %swap3A_107 = vector.shape_cast %add3A_103 : vector<16xi32> to vector<16xi32>
    tpu.vector_store %arg7[%swap3A_104], %swap3A_107 {strides = array<i32>} : memref<128xi32, #tpu.memory_space<vmem>>, vector<16xi32>,
    %get3A_108 = arith.constant 64 : index
    %get3A_109 = tpu.vector_load %arg6[%get3A_108] {strides = array<i32>} : memref<512xi32, #tpu.memory_space<vmem>>, vector<16xi32>,
    %get3A_110 = vector.shape_cast %get3A_109 : vector<16xi32> to vector<16xi32>
    %get3A_111 = arith.constant 64 : index
    %get3A_112 = tpu.vector_load %arg5[%get3A_111] {strides = array<i32>} : memref<512xi32, #tpu.memory_space<vmem>>, vector<16xi32>,
    %get3A_113 = vector.shape_cast %get3A_112 : vector<16xi32> to vector<16xi32>
    %mul3A_114 = arith.constant 512 : i32
    %mul3A_115 = vector.broadcast %mul3A_114 : i32 to vector<16xi32>
    %mul3A_116 = arith.muli %get3A_110, %mul3A_115 : vector<16xi32>
    %add3A_117 = arith.addi %mul3A_116, %get3A_113 : vector<16xi32>
    %swap3A_118 = arith.constant 64 : index
    %swap3A_119 = tpu.vector_load %arg7[%swap3A_118] {strides = array<i32>} : memref<128xi32, #tpu.memory_space<vmem>>, vector<16xi32>,
    %swap3A_120 = vector.shape_cast %swap3A_119 : vector<16xi32> to vector<16xi32>
    %swap3A_121 = vector.shape_cast %add3A_117 : vector<16xi32> to vector<16xi32>
    tpu.vector_store %arg7[%swap3A_118], %swap3A_121 {strides = array<i32>} : memref<128xi32, #tpu.memory_space<vmem>>, vector<16xi32>,
    %get3A_122 = arith.constant 80 : index
    %get3A_123 = tpu.vector_load %arg6[%get3A_122] {strides = array<i32>} : memref<512xi32, #tpu.memory_space<vmem>>, vector<16xi32>,
    %get3A_124 = vector.shape_cast %get3A_123 : vector<16xi32> to vector<16xi32>
    %get3A_125 = arith.constant 80 : index
    %get3A_126 = tpu.vector_load %arg5[%get3A_125] {strides = array<i32>} : memref<512xi32, #tpu.memory_space<vmem>>, vector<16xi32>,
    %get3A_127 = vector.shape_cast %get3A_126 : vector<16xi32> to vector<16xi32>
    %mul3A_128 = arith.constant 512 : i32
    %mul3A_129 = vector.broadcast %mul3A_128 : i32 to vector<16xi32>
    %mul3A_130 = arith.muli %get3A_124, %mul3A_129 : vector<16xi32>
    %add3A_131 = arith.addi %mul3A_130, %get3A_127 : vector<16xi32>
    %swap3A_132 = arith.constant 80 : index
    %swap3A_133 = tpu.vector_load %arg7[%swap3A_132] {strides = array<i32>} : memref<128xi32, #tpu.memory_space<vmem>>, vector<16xi32>,
    %swap3A_134 = vector.shape_cast %swap3A_133 : vector<16xi32> to vector<16xi32>
    %swap3A_135 = vector.shape_cast %add3A_131 : vector<16xi32> to vector<16xi32>
    tpu.vector_store %arg7[%swap3A_132], %swap3A_135 {strides = array<i32>} : memref<128xi32, #tpu.memory_space<vmem>>, vector<16xi32>,
    %get3A_136 = arith.constant 96 : index
    %get3A_137 = tpu.vector_load %arg6[%get3A_136] {strides = array<i32>} : memref<512xi32, #tpu.memory_space<vmem>>, vector<16xi32>,
    %get3A_138 = vector.shape_cast %get3A_137 : vector<16xi32> to vector<16xi32>
    %get3A_139 = arith.constant 96 : index
    %get3A_140 = tpu.vector_load %arg5[%get3A_139] {strides = array<i32>} : memref<512xi32, #tpu.memory_space<vmem>>, vector<16xi32>,
    %get3A_141 = vector.shape_cast %get3A_140 : vector<16xi32> to vector<16xi32>
    %mul3A_142 = arith.constant 512 : i32
    %mul3A_143 = vector.broadcast %mul3A_142 : i32 to vector<16xi32>
    %mul3A_144 = arith.muli %get3A_138, %mul3A_143 : vector<16xi32>
    %add3A_145 = arith.addi %mul3A_144, %get3A_141 : vector<16xi32>
    %swap3A_146 = arith.constant 96 : index
    %swap3A_147 = tpu.vector_load %arg7[%swap3A_146] {strides = array<i32>} : memref<128xi32, #tpu.memory_space<vmem>>, vector<16xi32>,
    %swap3A_148 = vector.shape_cast %swap3A_147 : vector<16xi32> to vector<16xi32>
    %swap3A_149 = vector.shape_cast %add3A_145 : vector<16xi32> to vector<16xi32>
    tpu.vector_store %arg7[%swap3A_146], %swap3A_149 {strides = array<i32>} : memref<128xi32, #tpu.memory_space<vmem>>, vector<16xi32>,
    %get3A_150 = arith.constant 112 : index
    %get3A_151 = tpu.vector_load %arg6[%get3A_150] {strides = array<i32>} : memref<512xi32, #tpu.memory_space<vmem>>, vector<16xi32>,
    %get3A_152 = vector.shape_cast %get3A_151 : vector<16xi32> to vector<16xi32>
    %get3A_153 = arith.constant 112 : index
    %get3A_154 = tpu.vector_load %arg5[%get3A_153] {strides = array<i32>} : memref<512xi32, #tpu.memory_space<vmem>>, vector<16xi32>,
    %get3A_155 = vector.shape_cast %get3A_154 : vector<16xi32> to vector<16xi32>
    %mul3A_156 = arith.constant 512 : i32
    %mul3A_157 = vector.broadcast %mul3A_156 : i32 to vector<16xi32>
    %mul3A_158 = arith.muli %get3A_152, %mul3A_157 : vector<16xi32>
    %add3A_159 = arith.addi %mul3A_158, %get3A_155 : vector<16xi32>
    %swap3A_160 = arith.constant 112 : index
    %swap3A_161 = tpu.vector_load %arg7[%swap3A_160] {strides = array<i32>} : memref<128xi32, #tpu.memory_space<vmem>>, vector<16xi32>,
    %swap3A_162 = vector.shape_cast %swap3A_161 : vector<16xi32> to vector<16xi32>
    %swap3A_163 = vector.shape_cast %add3A_159 : vector<16xi32> to vector<16xi32>
    tpu.vector_store %arg7[%swap3A_160], %swap3A_163 {strides = array<i32>} : memref<128xi32, #tpu.memory_space<vmem>>, vector<16xi32>,
    "tpu.region"() ({
      %run_scoped3A = tpu.sem_alloc : memref<!tpu.dma_semaphore, #tpu.memory_space<semaphore_mem>>
      %dma_start3A = arith.constant 0 : i32
      %dma_start3A_505 = tpu.memref_slice %arg9[%dma_start3A] : memref<262144xf32, #tpu.memory_space<vmem_shared>> -> memref<262144xf32, #tpu.memory_space<vmem_shared>>
      tpu.enqueue_indirect_dma source(%arg8 : memref<128xf32, #tpu.memory_space<vmem>>) target(%dma_start3A_505 : memref<262144xf32, #tpu.memory_space<vmem_shared>>) offsets(%arg7 : memref<128xi32, #tpu.memory_space<vmem>>) semaphore(%run_scoped3A : memref<!tpu.dma_semaphore, #tpu.memory_space<semaphore_mem>>) {add = true}
      %dma_wait3A = arith.constant 0 : i32
      %dma_wait3A_506 = tpu.memref_slice %arg9[%dma_wait3A] : memref<262144xf32, #tpu.memory_space<vmem_shared>> -> memref<262144xf32, #tpu.memory_space<vmem_shared>>
      tpu.wait_indirect_dma semaphore(%run_scoped3A : memref<!tpu.dma_semaphore, #tpu.memory_space<semaphore_mem>>) src(%arg8 : memref<128xf32, #tpu.memory_space<vmem>>) dst(%dma_wait3A_506 : memref<262144xf32, #tpu.memory_space<vmem_shared>>)
      tpu.yield
    }) : () -> ()
    %get3A_164 = arith.constant 128 : index
    %get3A_165 = tpu.vector_load %arg6[%get3A_164] {strides = array<i32>} : memref<512xi32, #tpu.memory_space<vmem>>, vector<16xi32>,
    %get3A_166 = vector.shape_cast %get3A_165 : vector<16xi32> to vector<16xi32>
    %get3A_167 = arith.constant 128 : index
    %get3A_168 = tpu.vector_load %arg5[%get3A_167] {strides = array<i32>} : memref<512xi32, #tpu.memory_space<vmem>>, vector<16xi32>,
    %get3A_169 = vector.shape_cast %get3A_168 : vector<16xi32> to vector<16xi32>
    %mul3A_170 = arith.constant 512 : i32
    %mul3A_171 = vector.broadcast %mul3A_170 : i32 to vector<16xi32>
    %mul3A_172 = arith.muli %get3A_166, %mul3A_171 : vector<16xi32>
    %add3A_173 = arith.addi %mul3A_172, %get3A_169 : vector<16xi32>
    %swap3A_174 = arith.constant 0 : index
    %swap3A_175 = tpu.vector_load %arg7[%swap3A_174] {strides = array<i32>} : memref<128xi32, #tpu.memory_space<vmem>>, vector<16xi32>,
    %swap3A_176 = vector.shape_cast %swap3A_175 : vector<16xi32> to vector<16xi32>
    %swap3A_177 = vector.shape_cast %add3A_173 : vector<16xi32> to vector<16xi32>
    tpu.vector_store %arg7[%swap3A_174], %swap3A_177 {strides = array<i32>} : memref<128xi32, #tpu.memory_space<vmem>>, vector<16xi32>,
    %get3A_178 = arith.constant 144 : index
    %get3A_179 = tpu.vector_load %arg6[%get3A_178] {strides = array<i32>} : memref<512xi32, #tpu.memory_space<vmem>>, vector<16xi32>,
    %get3A_180 = vector.shape_cast %get3A_179 : vector<16xi32> to vector<16xi32>
    %get3A_181 = arith.constant 144 : index
    %get3A_182 = tpu.vector_load %arg5[%get3A_181] {strides = array<i32>} : memref<512xi32, #tpu.memory_space<vmem>>, vector<16xi32>,
    %get3A_183 = vector.shape_cast %get3A_182 : vector<16xi32> to vector<16xi32>
    %mul3A_184 = arith.constant 512 : i32
    %mul3A_185 = vector.broadcast %mul3A_184 : i32 to vector<16xi32>
    %mul3A_186 = arith.muli %get3A_180, %mul3A_185 : vector<16xi32>
    %add3A_187 = arith.addi %mul3A_186, %get3A_183 : vector<16xi32>
    %swap3A_188 = arith.constant 16 : index
    %swap3A_189 = tpu.vector_load %arg7[%swap3A_188] {strides = array<i32>} : memref<128xi32, #tpu.memory_space<vmem>>, vector<16xi32>,
    %swap3A_190 = vector.shape_cast %swap3A_189 : vector<16xi32> to vector<16xi32>
    %swap3A_191 = vector.shape_cast %add3A_187 : vector<16xi32> to vector<16xi32>
    tpu.vector_store %arg7[%swap3A_188], %swap3A_191 {strides = array<i32>} : memref<128xi32, #tpu.memory_space<vmem>>, vector<16xi32>,
    %get3A_192 = arith.constant 160 : index
    %get3A_193 = tpu.vector_load %arg6[%get3A_192] {strides = array<i32>} : memref<512xi32, #tpu.memory_space<vmem>>, vector<16xi32>,
    %get3A_194 = vector.shape_cast %get3A_193 : vector<16xi32> to vector<16xi32>
    %get3A_195 = arith.constant 160 : index
    %get3A_196 = tpu.vector_load %arg5[%get3A_195] {strides = array<i32>} : memref<512xi32, #tpu.memory_space<vmem>>, vector<16xi32>,
    %get3A_197 = vector.shape_cast %get3A_196 : vector<16xi32> to vector<16xi32>
    %mul3A_198 = arith.constant 512 : i32
    %mul3A_199 = vector.broadcast %mul3A_198 : i32 to vector<16xi32>
    %mul3A_200 = arith.muli %get3A_194, %mul3A_199 : vector<16xi32>
    %add3A_201 = arith.addi %mul3A_200, %get3A_197 : vector<16xi32>
    %swap3A_202 = arith.constant 32 : index
    %swap3A_203 = tpu.vector_load %arg7[%swap3A_202] {strides = array<i32>} : memref<128xi32, #tpu.memory_space<vmem>>, vector<16xi32>,
    %swap3A_204 = vector.shape_cast %swap3A_203 : vector<16xi32> to vector<16xi32>
    %swap3A_205 = vector.shape_cast %add3A_201 : vector<16xi32> to vector<16xi32>
    tpu.vector_store %arg7[%swap3A_202], %swap3A_205 {strides = array<i32>} : memref<128xi32, #tpu.memory_space<vmem>>, vector<16xi32>,
    %get3A_206 = arith.constant 176 : index
    %get3A_207 = tpu.vector_load %arg6[%get3A_206] {strides = array<i32>} : memref<512xi32, #tpu.memory_space<vmem>>, vector<16xi32>,
    %get3A_208 = vector.shape_cast %get3A_207 : vector<16xi32> to vector<16xi32>
    %get3A_209 = arith.constant 176 : index
    %get3A_210 = tpu.vector_load %arg5[%get3A_209] {strides = array<i32>} : memref<512xi32, #tpu.memory_space<vmem>>, vector<16xi32>,
    %get3A_211 = vector.shape_cast %get3A_210 : vector<16xi32> to vector<16xi32>
    %mul3A_212 = arith.constant 512 : i32
    %mul3A_213 = vector.broadcast %mul3A_212 : i32 to vector<16xi32>
    %mul3A_214 = arith.muli %get3A_208, %mul3A_213 : vector<16xi32>
    %add3A_215 = arith.addi %mul3A_214, %get3A_211 : vector<16xi32>
    %swap3A_216 = arith.constant 48 : index
    %swap3A_217 = tpu.vector_load %arg7[%swap3A_216] {strides = array<i32>} : memref<128xi32, #tpu.memory_space<vmem>>, vector<16xi32>,
    %swap3A_218 = vector.shape_cast %swap3A_217 : vector<16xi32> to vector<16xi32>
    %swap3A_219 = vector.shape_cast %add3A_215 : vector<16xi32> to vector<16xi32>
    tpu.vector_store %arg7[%swap3A_216], %swap3A_219 {strides = array<i32>} : memref<128xi32, #tpu.memory_space<vmem>>, vector<16xi32>,
    %get3A_220 = arith.constant 192 : index
    %get3A_221 = tpu.vector_load %arg6[%get3A_220] {strides = array<i32>} : memref<512xi32, #tpu.memory_space<vmem>>, vector<16xi32>,
    %get3A_222 = vector.shape_cast %get3A_221 : vector<16xi32> to vector<16xi32>
    %get3A_223 = arith.constant 192 : index
    %get3A_224 = tpu.vector_load %arg5[%get3A_223] {strides = array<i32>} : memref<512xi32, #tpu.memory_space<vmem>>, vector<16xi32>,
    %get3A_225 = vector.shape_cast %get3A_224 : vector<16xi32> to vector<16xi32>
    %mul3A_226 = arith.constant 512 : i32
    %mul3A_227 = vector.broadcast %mul3A_226 : i32 to vector<16xi32>
    %mul3A_228 = arith.muli %get3A_222, %mul3A_227 : vector<16xi32>
    %add3A_229 = arith.addi %mul3A_228, %get3A_225 : vector<16xi32>
    %swap3A_230 = arith.constant 64 : index
    %swap3A_231 = tpu.vector_load %arg7[%swap3A_230] {strides = array<i32>} : memref<128xi32, #tpu.memory_space<vmem>>, vector<16xi32>,
    %swap3A_232 = vector.shape_cast %swap3A_231 : vector<16xi32> to vector<16xi32>
    %swap3A_233 = vector.shape_cast %add3A_229 : vector<16xi32> to vector<16xi32>
    tpu.vector_store %arg7[%swap3A_230], %swap3A_233 {strides = array<i32>} : memref<128xi32, #tpu.memory_space<vmem>>, vector<16xi32>,
    %get3A_234 = arith.constant 208 : index
    %get3A_235 = tpu.vector_load %arg6[%get3A_234] {strides = array<i32>} : memref<512xi32, #tpu.memory_space<vmem>>, vector<16xi32>,
    %get3A_236 = vector.shape_cast %get3A_235 : vector<16xi32> to vector<16xi32>
    %get3A_237 = arith.constant 208 : index
    %get3A_238 = tpu.vector_load %arg5[%get3A_237] {strides = array<i32>} : memref<512xi32, #tpu.memory_space<vmem>>, vector<16xi32>,
    %get3A_239 = vector.shape_cast %get3A_238 : vector<16xi32> to vector<16xi32>
    %mul3A_240 = arith.constant 512 : i32
    %mul3A_241 = vector.broadcast %mul3A_240 : i32 to vector<16xi32>
    %mul3A_242 = arith.muli %get3A_236, %mul3A_241 : vector<16xi32>
    %add3A_243 = arith.addi %mul3A_242, %get3A_239 : vector<16xi32>
    %swap3A_244 = arith.constant 80 : index
    %swap3A_245 = tpu.vector_load %arg7[%swap3A_244] {strides = array<i32>} : memref<128xi32, #tpu.memory_space<vmem>>, vector<16xi32>,
    %swap3A_246 = vector.shape_cast %swap3A_245 : vector<16xi32> to vector<16xi32>
    %swap3A_247 = vector.shape_cast %add3A_243 : vector<16xi32> to vector<16xi32>
    tpu.vector_store %arg7[%swap3A_244], %swap3A_247 {strides = array<i32>} : memref<128xi32, #tpu.memory_space<vmem>>, vector<16xi32>,
    %get3A_248 = arith.constant 224 : index
    %get3A_249 = tpu.vector_load %arg6[%get3A_248] {strides = array<i32>} : memref<512xi32, #tpu.memory_space<vmem>>, vector<16xi32>,
    %get3A_250 = vector.shape_cast %get3A_249 : vector<16xi32> to vector<16xi32>
    %get3A_251 = arith.constant 224 : index
    %get3A_252 = tpu.vector_load %arg5[%get3A_251] {strides = array<i32>} : memref<512xi32, #tpu.memory_space<vmem>>, vector<16xi32>,
    %get3A_253 = vector.shape_cast %get3A_252 : vector<16xi32> to vector<16xi32>
    %mul3A_254 = arith.constant 512 : i32
    %mul3A_255 = vector.broadcast %mul3A_254 : i32 to vector<16xi32>
    %mul3A_256 = arith.muli %get3A_250, %mul3A_255 : vector<16xi32>
    %add3A_257 = arith.addi %mul3A_256, %get3A_253 : vector<16xi32>
    %swap3A_258 = arith.constant 96 : index
    %swap3A_259 = tpu.vector_load %arg7[%swap3A_258] {strides = array<i32>} : memref<128xi32, #tpu.memory_space<vmem>>, vector<16xi32>,
    %swap3A_260 = vector.shape_cast %swap3A_259 : vector<16xi32> to vector<16xi32>
    %swap3A_261 = vector.shape_cast %add3A_257 : vector<16xi32> to vector<16xi32>
    tpu.vector_store %arg7[%swap3A_258], %swap3A_261 {strides = array<i32>} : memref<128xi32, #tpu.memory_space<vmem>>, vector<16xi32>,
    %get3A_262 = arith.constant 240 : index
    %get3A_263 = tpu.vector_load %arg6[%get3A_262] {strides = array<i32>} : memref<512xi32, #tpu.memory_space<vmem>>, vector<16xi32>,
    %get3A_264 = vector.shape_cast %get3A_263 : vector<16xi32> to vector<16xi32>
    %get3A_265 = arith.constant 240 : index
    %get3A_266 = tpu.vector_load %arg5[%get3A_265] {strides = array<i32>} : memref<512xi32, #tpu.memory_space<vmem>>, vector<16xi32>,
    %get3A_267 = vector.shape_cast %get3A_266 : vector<16xi32> to vector<16xi32>
    %mul3A_268 = arith.constant 512 : i32
    %mul3A_269 = vector.broadcast %mul3A_268 : i32 to vector<16xi32>
    %mul3A_270 = arith.muli %get3A_264, %mul3A_269 : vector<16xi32>
    %add3A_271 = arith.addi %mul3A_270, %get3A_267 : vector<16xi32>
    %swap3A_272 = arith.constant 112 : index
    %swap3A_273 = tpu.vector_load %arg7[%swap3A_272] {strides = array<i32>} : memref<128xi32, #tpu.memory_space<vmem>>, vector<16xi32>,
    %swap3A_274 = vector.shape_cast %swap3A_273 : vector<16xi32> to vector<16xi32>
    %swap3A_275 = vector.shape_cast %add3A_271 : vector<16xi32> to vector<16xi32>
    tpu.vector_store %arg7[%swap3A_272], %swap3A_275 {strides = array<i32>} : memref<128xi32, #tpu.memory_space<vmem>>, vector<16xi32>,
    "tpu.region"() ({
      %run_scoped3A = tpu.sem_alloc : memref<!tpu.dma_semaphore, #tpu.memory_space<semaphore_mem>>
      %dma_start3A = arith.constant 0 : i32
      %dma_start3A_505 = tpu.memref_slice %arg9[%dma_start3A] : memref<262144xf32, #tpu.memory_space<vmem_shared>> -> memref<262144xf32, #tpu.memory_space<vmem_shared>>
      tpu.enqueue_indirect_dma source(%arg8 : memref<128xf32, #tpu.memory_space<vmem>>) target(%dma_start3A_505 : memref<262144xf32, #tpu.memory_space<vmem_shared>>) offsets(%arg7 : memref<128xi32, #tpu.memory_space<vmem>>) semaphore(%run_scoped3A : memref<!tpu.dma_semaphore, #tpu.memory_space<semaphore_mem>>) {add = true}
      %dma_wait3A = arith.constant 0 : i32
      %dma_wait3A_506 = tpu.memref_slice %arg9[%dma_wait3A] : memref<262144xf32, #tpu.memory_space<vmem_shared>> -> memref<262144xf32, #tpu.memory_space<vmem_shared>>
      tpu.wait_indirect_dma semaphore(%run_scoped3A : memref<!tpu.dma_semaphore, #tpu.memory_space<semaphore_mem>>) src(%arg8 : memref<128xf32, #tpu.memory_space<vmem>>) dst(%dma_wait3A_506 : memref<262144xf32, #tpu.memory_space<vmem_shared>>)
      tpu.yield
    }) : () -> ()
    %get3A_276 = arith.constant 256 : index
    %get3A_277 = tpu.vector_load %arg6[%get3A_276] {strides = array<i32>} : memref<512xi32, #tpu.memory_space<vmem>>, vector<16xi32>,
    %get3A_278 = vector.shape_cast %get3A_277 : vector<16xi32> to vector<16xi32>
    %get3A_279 = arith.constant 256 : index
    %get3A_280 = tpu.vector_load %arg5[%get3A_279] {strides = array<i32>} : memref<512xi32, #tpu.memory_space<vmem>>, vector<16xi32>,
    %get3A_281 = vector.shape_cast %get3A_280 : vector<16xi32> to vector<16xi32>
    %mul3A_282 = arith.constant 512 : i32
    %mul3A_283 = vector.broadcast %mul3A_282 : i32 to vector<16xi32>
    %mul3A_284 = arith.muli %get3A_278, %mul3A_283 : vector<16xi32>
    %add3A_285 = arith.addi %mul3A_284, %get3A_281 : vector<16xi32>
    %swap3A_286 = arith.constant 0 : index
    %swap3A_287 = tpu.vector_load %arg7[%swap3A_286] {strides = array<i32>} : memref<128xi32, #tpu.memory_space<vmem>>, vector<16xi32>,
    %swap3A_288 = vector.shape_cast %swap3A_287 : vector<16xi32> to vector<16xi32>
    %swap3A_289 = vector.shape_cast %add3A_285 : vector<16xi32> to vector<16xi32>
    tpu.vector_store %arg7[%swap3A_286], %swap3A_289 {strides = array<i32>} : memref<128xi32, #tpu.memory_space<vmem>>, vector<16xi32>,
    %get3A_290 = arith.constant 272 : index
    %get3A_291 = tpu.vector_load %arg6[%get3A_290] {strides = array<i32>} : memref<512xi32, #tpu.memory_space<vmem>>, vector<16xi32>,
    %get3A_292 = vector.shape_cast %get3A_291 : vector<16xi32> to vector<16xi32>
    %get3A_293 = arith.constant 272 : index
    %get3A_294 = tpu.vector_load %arg5[%get3A_293] {strides = array<i32>} : memref<512xi32, #tpu.memory_space<vmem>>, vector<16xi32>,
    %get3A_295 = vector.shape_cast %get3A_294 : vector<16xi32> to vector<16xi32>
    %mul3A_296 = arith.constant 512 : i32
    %mul3A_297 = vector.broadcast %mul3A_296 : i32 to vector<16xi32>
    %mul3A_298 = arith.muli %get3A_292, %mul3A_297 : vector<16xi32>
    %add3A_299 = arith.addi %mul3A_298, %get3A_295 : vector<16xi32>
    %swap3A_300 = arith.constant 16 : index
    %swap3A_301 = tpu.vector_load %arg7[%swap3A_300] {strides = array<i32>} : memref<128xi32, #tpu.memory_space<vmem>>, vector<16xi32>,
    %swap3A_302 = vector.shape_cast %swap3A_301 : vector<16xi32> to vector<16xi32>
    %swap3A_303 = vector.shape_cast %add3A_299 : vector<16xi32> to vector<16xi32>
    tpu.vector_store %arg7[%swap3A_300], %swap3A_303 {strides = array<i32>} : memref<128xi32, #tpu.memory_space<vmem>>, vector<16xi32>,
    %get3A_304 = arith.constant 288 : index
    %get3A_305 = tpu.vector_load %arg6[%get3A_304] {strides = array<i32>} : memref<512xi32, #tpu.memory_space<vmem>>, vector<16xi32>,
    %get3A_306 = vector.shape_cast %get3A_305 : vector<16xi32> to vector<16xi32>
    %get3A_307 = arith.constant 288 : index
    %get3A_308 = tpu.vector_load %arg5[%get3A_307] {strides = array<i32>} : memref<512xi32, #tpu.memory_space<vmem>>, vector<16xi32>,
    %get3A_309 = vector.shape_cast %get3A_308 : vector<16xi32> to vector<16xi32>
    %mul3A_310 = arith.constant 512 : i32
    %mul3A_311 = vector.broadcast %mul3A_310 : i32 to vector<16xi32>
    %mul3A_312 = arith.muli %get3A_306, %mul3A_311 : vector<16xi32>
    %add3A_313 = arith.addi %mul3A_312, %get3A_309 : vector<16xi32>
    %swap3A_314 = arith.constant 32 : index
    %swap3A_315 = tpu.vector_load %arg7[%swap3A_314] {strides = array<i32>} : memref<128xi32, #tpu.memory_space<vmem>>, vector<16xi32>,
    %swap3A_316 = vector.shape_cast %swap3A_315 : vector<16xi32> to vector<16xi32>
    %swap3A_317 = vector.shape_cast %add3A_313 : vector<16xi32> to vector<16xi32>
    tpu.vector_store %arg7[%swap3A_314], %swap3A_317 {strides = array<i32>} : memref<128xi32, #tpu.memory_space<vmem>>, vector<16xi32>,
    %get3A_318 = arith.constant 304 : index
    %get3A_319 = tpu.vector_load %arg6[%get3A_318] {strides = array<i32>} : memref<512xi32, #tpu.memory_space<vmem>>, vector<16xi32>,
    %get3A_320 = vector.shape_cast %get3A_319 : vector<16xi32> to vector<16xi32>
    %get3A_321 = arith.constant 304 : index
    %get3A_322 = tpu.vector_load %arg5[%get3A_321] {strides = array<i32>} : memref<512xi32, #tpu.memory_space<vmem>>, vector<16xi32>,
    %get3A_323 = vector.shape_cast %get3A_322 : vector<16xi32> to vector<16xi32>
    %mul3A_324 = arith.constant 512 : i32
    %mul3A_325 = vector.broadcast %mul3A_324 : i32 to vector<16xi32>
    %mul3A_326 = arith.muli %get3A_320, %mul3A_325 : vector<16xi32>
    %add3A_327 = arith.addi %mul3A_326, %get3A_323 : vector<16xi32>
    %swap3A_328 = arith.constant 48 : index
    %swap3A_329 = tpu.vector_load %arg7[%swap3A_328] {strides = array<i32>} : memref<128xi32, #tpu.memory_space<vmem>>, vector<16xi32>,
    %swap3A_330 = vector.shape_cast %swap3A_329 : vector<16xi32> to vector<16xi32>
    %swap3A_331 = vector.shape_cast %add3A_327 : vector<16xi32> to vector<16xi32>
    tpu.vector_store %arg7[%swap3A_328], %swap3A_331 {strides = array<i32>} : memref<128xi32, #tpu.memory_space<vmem>>, vector<16xi32>,
    %get3A_332 = arith.constant 320 : index
    %get3A_333 = tpu.vector_load %arg6[%get3A_332] {strides = array<i32>} : memref<512xi32, #tpu.memory_space<vmem>>, vector<16xi32>,
    %get3A_334 = vector.shape_cast %get3A_333 : vector<16xi32> to vector<16xi32>
    %get3A_335 = arith.constant 320 : index
    %get3A_336 = tpu.vector_load %arg5[%get3A_335] {strides = array<i32>} : memref<512xi32, #tpu.memory_space<vmem>>, vector<16xi32>,
    %get3A_337 = vector.shape_cast %get3A_336 : vector<16xi32> to vector<16xi32>
    %mul3A_338 = arith.constant 512 : i32
    %mul3A_339 = vector.broadcast %mul3A_338 : i32 to vector<16xi32>
    %mul3A_340 = arith.muli %get3A_334, %mul3A_339 : vector<16xi32>
    %add3A_341 = arith.addi %mul3A_340, %get3A_337 : vector<16xi32>
    %swap3A_342 = arith.constant 64 : index
    %swap3A_343 = tpu.vector_load %arg7[%swap3A_342] {strides = array<i32>} : memref<128xi32, #tpu.memory_space<vmem>>, vector<16xi32>,
    %swap3A_344 = vector.shape_cast %swap3A_343 : vector<16xi32> to vector<16xi32>
    %swap3A_345 = vector.shape_cast %add3A_341 : vector<16xi32> to vector<16xi32>
    tpu.vector_store %arg7[%swap3A_342], %swap3A_345 {strides = array<i32>} : memref<128xi32, #tpu.memory_space<vmem>>, vector<16xi32>,
    %get3A_346 = arith.constant 336 : index
    %get3A_347 = tpu.vector_load %arg6[%get3A_346] {strides = array<i32>} : memref<512xi32, #tpu.memory_space<vmem>>, vector<16xi32>,
    %get3A_348 = vector.shape_cast %get3A_347 : vector<16xi32> to vector<16xi32>
    %get3A_349 = arith.constant 336 : index
    %get3A_350 = tpu.vector_load %arg5[%get3A_349] {strides = array<i32>} : memref<512xi32, #tpu.memory_space<vmem>>, vector<16xi32>,
    %get3A_351 = vector.shape_cast %get3A_350 : vector<16xi32> to vector<16xi32>
    %mul3A_352 = arith.constant 512 : i32
    %mul3A_353 = vector.broadcast %mul3A_352 : i32 to vector<16xi32>
    %mul3A_354 = arith.muli %get3A_348, %mul3A_353 : vector<16xi32>
    %add3A_355 = arith.addi %mul3A_354, %get3A_351 : vector<16xi32>
    %swap3A_356 = arith.constant 80 : index
    %swap3A_357 = tpu.vector_load %arg7[%swap3A_356] {strides = array<i32>} : memref<128xi32, #tpu.memory_space<vmem>>, vector<16xi32>,
    %swap3A_358 = vector.shape_cast %swap3A_357 : vector<16xi32> to vector<16xi32>
    %swap3A_359 = vector.shape_cast %add3A_355 : vector<16xi32> to vector<16xi32>
    tpu.vector_store %arg7[%swap3A_356], %swap3A_359 {strides = array<i32>} : memref<128xi32, #tpu.memory_space<vmem>>, vector<16xi32>,
    %get3A_360 = arith.constant 352 : index
    %get3A_361 = tpu.vector_load %arg6[%get3A_360] {strides = array<i32>} : memref<512xi32, #tpu.memory_space<vmem>>, vector<16xi32>,
    %get3A_362 = vector.shape_cast %get3A_361 : vector<16xi32> to vector<16xi32>
    %get3A_363 = arith.constant 352 : index
    %get3A_364 = tpu.vector_load %arg5[%get3A_363] {strides = array<i32>} : memref<512xi32, #tpu.memory_space<vmem>>, vector<16xi32>,
    %get3A_365 = vector.shape_cast %get3A_364 : vector<16xi32> to vector<16xi32>
    %mul3A_366 = arith.constant 512 : i32
    %mul3A_367 = vector.broadcast %mul3A_366 : i32 to vector<16xi32>
    %mul3A_368 = arith.muli %get3A_362, %mul3A_367 : vector<16xi32>
    %add3A_369 = arith.addi %mul3A_368, %get3A_365 : vector<16xi32>
    %swap3A_370 = arith.constant 96 : index
    %swap3A_371 = tpu.vector_load %arg7[%swap3A_370] {strides = array<i32>} : memref<128xi32, #tpu.memory_space<vmem>>, vector<16xi32>,
    %swap3A_372 = vector.shape_cast %swap3A_371 : vector<16xi32> to vector<16xi32>
    %swap3A_373 = vector.shape_cast %add3A_369 : vector<16xi32> to vector<16xi32>
    tpu.vector_store %arg7[%swap3A_370], %swap3A_373 {strides = array<i32>} : memref<128xi32, #tpu.memory_space<vmem>>, vector<16xi32>,
    %get3A_374 = arith.constant 368 : index
    %get3A_375 = tpu.vector_load %arg6[%get3A_374] {strides = array<i32>} : memref<512xi32, #tpu.memory_space<vmem>>, vector<16xi32>,
    %get3A_376 = vector.shape_cast %get3A_375 : vector<16xi32> to vector<16xi32>
    %get3A_377 = arith.constant 368 : index
    %get3A_378 = tpu.vector_load %arg5[%get3A_377] {strides = array<i32>} : memref<512xi32, #tpu.memory_space<vmem>>, vector<16xi32>,
    %get3A_379 = vector.shape_cast %get3A_378 : vector<16xi32> to vector<16xi32>
    %mul3A_380 = arith.constant 512 : i32
    %mul3A_381 = vector.broadcast %mul3A_380 : i32 to vector<16xi32>
    %mul3A_382 = arith.muli %get3A_376, %mul3A_381 : vector<16xi32>
    %add3A_383 = arith.addi %mul3A_382, %get3A_379 : vector<16xi32>
    %swap3A_384 = arith.constant 112 : index
    %swap3A_385 = tpu.vector_load %arg7[%swap3A_384] {strides = array<i32>} : memref<128xi32, #tpu.memory_space<vmem>>, vector<16xi32>,
    %swap3A_386 = vector.shape_cast %swap3A_385 : vector<16xi32> to vector<16xi32>
    %swap3A_387 = vector.shape_cast %add3A_383 : vector<16xi32> to vector<16xi32>
    tpu.vector_store %arg7[%swap3A_384], %swap3A_387 {strides = array<i32>} : memref<128xi32, #tpu.memory_space<vmem>>, vector<16xi32>,
    "tpu.region"() ({
      %run_scoped3A = tpu.sem_alloc : memref<!tpu.dma_semaphore, #tpu.memory_space<semaphore_mem>>
      %dma_start3A = arith.constant 0 : i32
      %dma_start3A_505 = tpu.memref_slice %arg9[%dma_start3A] : memref<262144xf32, #tpu.memory_space<vmem_shared>> -> memref<262144xf32, #tpu.memory_space<vmem_shared>>
      tpu.enqueue_indirect_dma source(%arg8 : memref<128xf32, #tpu.memory_space<vmem>>) target(%dma_start3A_505 : memref<262144xf32, #tpu.memory_space<vmem_shared>>) offsets(%arg7 : memref<128xi32, #tpu.memory_space<vmem>>) semaphore(%run_scoped3A : memref<!tpu.dma_semaphore, #tpu.memory_space<semaphore_mem>>) {add = true}
      %dma_wait3A = arith.constant 0 : i32
      %dma_wait3A_506 = tpu.memref_slice %arg9[%dma_wait3A] : memref<262144xf32, #tpu.memory_space<vmem_shared>> -> memref<262144xf32, #tpu.memory_space<vmem_shared>>
      tpu.wait_indirect_dma semaphore(%run_scoped3A : memref<!tpu.dma_semaphore, #tpu.memory_space<semaphore_mem>>) src(%arg8 : memref<128xf32, #tpu.memory_space<vmem>>) dst(%dma_wait3A_506 : memref<262144xf32, #tpu.memory_space<vmem_shared>>)
      tpu.yield
    }) : () -> ()
    %get3A_388 = arith.constant 384 : index
    %get3A_389 = tpu.vector_load %arg6[%get3A_388] {strides = array<i32>} : memref<512xi32, #tpu.memory_space<vmem>>, vector<16xi32>,
    %get3A_390 = vector.shape_cast %get3A_389 : vector<16xi32> to vector<16xi32>
    %get3A_391 = arith.constant 384 : index
    %get3A_392 = tpu.vector_load %arg5[%get3A_391] {strides = array<i32>} : memref<512xi32, #tpu.memory_space<vmem>>, vector<16xi32>,
    %get3A_393 = vector.shape_cast %get3A_392 : vector<16xi32> to vector<16xi32>
    %mul3A_394 = arith.constant 512 : i32
    %mul3A_395 = vector.broadcast %mul3A_394 : i32 to vector<16xi32>
    %mul3A_396 = arith.muli %get3A_390, %mul3A_395 : vector<16xi32>
    %add3A_397 = arith.addi %mul3A_396, %get3A_393 : vector<16xi32>
    %swap3A_398 = arith.constant 0 : index
    %swap3A_399 = tpu.vector_load %arg7[%swap3A_398] {strides = array<i32>} : memref<128xi32, #tpu.memory_space<vmem>>, vector<16xi32>,
    %swap3A_400 = vector.shape_cast %swap3A_399 : vector<16xi32> to vector<16xi32>
    %swap3A_401 = vector.shape_cast %add3A_397 : vector<16xi32> to vector<16xi32>
    tpu.vector_store %arg7[%swap3A_398], %swap3A_401 {strides = array<i32>} : memref<128xi32, #tpu.memory_space<vmem>>, vector<16xi32>,
    %get3A_402 = arith.constant 400 : index
    %get3A_403 = tpu.vector_load %arg6[%get3A_402] {strides = array<i32>} : memref<512xi32, #tpu.memory_space<vmem>>, vector<16xi32>,
    %get3A_404 = vector.shape_cast %get3A_403 : vector<16xi32> to vector<16xi32>
    %get3A_405 = arith.constant 400 : index
    %get3A_406 = tpu.vector_load %arg5[%get3A_405] {strides = array<i32>} : memref<512xi32, #tpu.memory_space<vmem>>, vector<16xi32>,
    %get3A_407 = vector.shape_cast %get3A_406 : vector<16xi32> to vector<16xi32>
    %mul3A_408 = arith.constant 512 : i32
    %mul3A_409 = vector.broadcast %mul3A_408 : i32 to vector<16xi32>
    %mul3A_410 = arith.muli %get3A_404, %mul3A_409 : vector<16xi32>
    %add3A_411 = arith.addi %mul3A_410, %get3A_407 : vector<16xi32>
    %swap3A_412 = arith.constant 16 : index
    %swap3A_413 = tpu.vector_load %arg7[%swap3A_412] {strides = array<i32>} : memref<128xi32, #tpu.memory_space<vmem>>, vector<16xi32>,
    %swap3A_414 = vector.shape_cast %swap3A_413 : vector<16xi32> to vector<16xi32>
    %swap3A_415 = vector.shape_cast %add3A_411 : vector<16xi32> to vector<16xi32>
    tpu.vector_store %arg7[%swap3A_412], %swap3A_415 {strides = array<i32>} : memref<128xi32, #tpu.memory_space<vmem>>, vector<16xi32>,
    %get3A_416 = arith.constant 416 : index
    %get3A_417 = tpu.vector_load %arg6[%get3A_416] {strides = array<i32>} : memref<512xi32, #tpu.memory_space<vmem>>, vector<16xi32>,
    %get3A_418 = vector.shape_cast %get3A_417 : vector<16xi32> to vector<16xi32>
    %get3A_419 = arith.constant 416 : index
    %get3A_420 = tpu.vector_load %arg5[%get3A_419] {strides = array<i32>} : memref<512xi32, #tpu.memory_space<vmem>>, vector<16xi32>,
    %get3A_421 = vector.shape_cast %get3A_420 : vector<16xi32> to vector<16xi32>
    %mul3A_422 = arith.constant 512 : i32
    %mul3A_423 = vector.broadcast %mul3A_422 : i32 to vector<16xi32>
    %mul3A_424 = arith.muli %get3A_418, %mul3A_423 : vector<16xi32>
    %add3A_425 = arith.addi %mul3A_424, %get3A_421 : vector<16xi32>
    %swap3A_426 = arith.constant 32 : index
    %swap3A_427 = tpu.vector_load %arg7[%swap3A_426] {strides = array<i32>} : memref<128xi32, #tpu.memory_space<vmem>>, vector<16xi32>,
    %swap3A_428 = vector.shape_cast %swap3A_427 : vector<16xi32> to vector<16xi32>
    %swap3A_429 = vector.shape_cast %add3A_425 : vector<16xi32> to vector<16xi32>
    tpu.vector_store %arg7[%swap3A_426], %swap3A_429 {strides = array<i32>} : memref<128xi32, #tpu.memory_space<vmem>>, vector<16xi32>,
    %get3A_430 = arith.constant 432 : index
    %get3A_431 = tpu.vector_load %arg6[%get3A_430] {strides = array<i32>} : memref<512xi32, #tpu.memory_space<vmem>>, vector<16xi32>,
    %get3A_432 = vector.shape_cast %get3A_431 : vector<16xi32> to vector<16xi32>
    %get3A_433 = arith.constant 432 : index
    %get3A_434 = tpu.vector_load %arg5[%get3A_433] {strides = array<i32>} : memref<512xi32, #tpu.memory_space<vmem>>, vector<16xi32>,
    %get3A_435 = vector.shape_cast %get3A_434 : vector<16xi32> to vector<16xi32>
    %mul3A_436 = arith.constant 512 : i32
    %mul3A_437 = vector.broadcast %mul3A_436 : i32 to vector<16xi32>
    %mul3A_438 = arith.muli %get3A_432, %mul3A_437 : vector<16xi32>
    %add3A_439 = arith.addi %mul3A_438, %get3A_435 : vector<16xi32>
    %swap3A_440 = arith.constant 48 : index
    %swap3A_441 = tpu.vector_load %arg7[%swap3A_440] {strides = array<i32>} : memref<128xi32, #tpu.memory_space<vmem>>, vector<16xi32>,
    %swap3A_442 = vector.shape_cast %swap3A_441 : vector<16xi32> to vector<16xi32>
    %swap3A_443 = vector.shape_cast %add3A_439 : vector<16xi32> to vector<16xi32>
    tpu.vector_store %arg7[%swap3A_440], %swap3A_443 {strides = array<i32>} : memref<128xi32, #tpu.memory_space<vmem>>, vector<16xi32>,
    %get3A_444 = arith.constant 448 : index
    %get3A_445 = tpu.vector_load %arg6[%get3A_444] {strides = array<i32>} : memref<512xi32, #tpu.memory_space<vmem>>, vector<16xi32>,
    %get3A_446 = vector.shape_cast %get3A_445 : vector<16xi32> to vector<16xi32>
    %get3A_447 = arith.constant 448 : index
    %get3A_448 = tpu.vector_load %arg5[%get3A_447] {strides = array<i32>} : memref<512xi32, #tpu.memory_space<vmem>>, vector<16xi32>,
    %get3A_449 = vector.shape_cast %get3A_448 : vector<16xi32> to vector<16xi32>
    %mul3A_450 = arith.constant 512 : i32
    %mul3A_451 = vector.broadcast %mul3A_450 : i32 to vector<16xi32>
    %mul3A_452 = arith.muli %get3A_446, %mul3A_451 : vector<16xi32>
    %add3A_453 = arith.addi %mul3A_452, %get3A_449 : vector<16xi32>
    %swap3A_454 = arith.constant 64 : index
    %swap3A_455 = tpu.vector_load %arg7[%swap3A_454] {strides = array<i32>} : memref<128xi32, #tpu.memory_space<vmem>>, vector<16xi32>,
    %swap3A_456 = vector.shape_cast %swap3A_455 : vector<16xi32> to vector<16xi32>
    %swap3A_457 = vector.shape_cast %add3A_453 : vector<16xi32> to vector<16xi32>
    tpu.vector_store %arg7[%swap3A_454], %swap3A_457 {strides = array<i32>} : memref<128xi32, #tpu.memory_space<vmem>>, vector<16xi32>,
    %get3A_458 = arith.constant 464 : index
    %get3A_459 = tpu.vector_load %arg6[%get3A_458] {strides = array<i32>} : memref<512xi32, #tpu.memory_space<vmem>>, vector<16xi32>,
    %get3A_460 = vector.shape_cast %get3A_459 : vector<16xi32> to vector<16xi32>
    %get3A_461 = arith.constant 464 : index
    %get3A_462 = tpu.vector_load %arg5[%get3A_461] {strides = array<i32>} : memref<512xi32, #tpu.memory_space<vmem>>, vector<16xi32>,
    %get3A_463 = vector.shape_cast %get3A_462 : vector<16xi32> to vector<16xi32>
    %mul3A_464 = arith.constant 512 : i32
    %mul3A_465 = vector.broadcast %mul3A_464 : i32 to vector<16xi32>
    %mul3A_466 = arith.muli %get3A_460, %mul3A_465 : vector<16xi32>
    %add3A_467 = arith.addi %mul3A_466, %get3A_463 : vector<16xi32>
    %swap3A_468 = arith.constant 80 : index
    %swap3A_469 = tpu.vector_load %arg7[%swap3A_468] {strides = array<i32>} : memref<128xi32, #tpu.memory_space<vmem>>, vector<16xi32>,
    %swap3A_470 = vector.shape_cast %swap3A_469 : vector<16xi32> to vector<16xi32>
    %swap3A_471 = vector.shape_cast %add3A_467 : vector<16xi32> to vector<16xi32>
    tpu.vector_store %arg7[%swap3A_468], %swap3A_471 {strides = array<i32>} : memref<128xi32, #tpu.memory_space<vmem>>, vector<16xi32>,
    %get3A_472 = arith.constant 480 : index
    %get3A_473 = tpu.vector_load %arg6[%get3A_472] {strides = array<i32>} : memref<512xi32, #tpu.memory_space<vmem>>, vector<16xi32>,
    %get3A_474 = vector.shape_cast %get3A_473 : vector<16xi32> to vector<16xi32>
    %get3A_475 = arith.constant 480 : index
    %get3A_476 = tpu.vector_load %arg5[%get3A_475] {strides = array<i32>} : memref<512xi32, #tpu.memory_space<vmem>>, vector<16xi32>,
    %get3A_477 = vector.shape_cast %get3A_476 : vector<16xi32> to vector<16xi32>
    %mul3A_478 = arith.constant 512 : i32
    %mul3A_479 = vector.broadcast %mul3A_478 : i32 to vector<16xi32>
    %mul3A_480 = arith.muli %get3A_474, %mul3A_479 : vector<16xi32>
    %add3A_481 = arith.addi %mul3A_480, %get3A_477 : vector<16xi32>
    %swap3A_482 = arith.constant 96 : index
    %swap3A_483 = tpu.vector_load %arg7[%swap3A_482] {strides = array<i32>} : memref<128xi32, #tpu.memory_space<vmem>>, vector<16xi32>,
    %swap3A_484 = vector.shape_cast %swap3A_483 : vector<16xi32> to vector<16xi32>
    %swap3A_485 = vector.shape_cast %add3A_481 : vector<16xi32> to vector<16xi32>
    tpu.vector_store %arg7[%swap3A_482], %swap3A_485 {strides = array<i32>} : memref<128xi32, #tpu.memory_space<vmem>>, vector<16xi32>,
    %get3A_486 = arith.constant 496 : index
    %get3A_487 = tpu.vector_load %arg6[%get3A_486] {strides = array<i32>} : memref<512xi32, #tpu.memory_space<vmem>>, vector<16xi32>,
    %get3A_488 = vector.shape_cast %get3A_487 : vector<16xi32> to vector<16xi32>
    %get3A_489 = arith.constant 496 : index
    %get3A_490 = tpu.vector_load %arg5[%get3A_489] {strides = array<i32>} : memref<512xi32, #tpu.memory_space<vmem>>, vector<16xi32>,
    %get3A_491 = vector.shape_cast %get3A_490 : vector<16xi32> to vector<16xi32>
    %mul3A_492 = arith.constant 512 : i32
    %mul3A_493 = vector.broadcast %mul3A_492 : i32 to vector<16xi32>
    %mul3A_494 = arith.muli %get3A_488, %mul3A_493 : vector<16xi32>
    %add3A_495 = arith.addi %mul3A_494, %get3A_491 : vector<16xi32>
    %swap3A_496 = arith.constant 112 : index
    %swap3A_497 = tpu.vector_load %arg7[%swap3A_496] {strides = array<i32>} : memref<128xi32, #tpu.memory_space<vmem>>, vector<16xi32>,
    %swap3A_498 = vector.shape_cast %swap3A_497 : vector<16xi32> to vector<16xi32>
    %swap3A_499 = vector.shape_cast %add3A_495 : vector<16xi32> to vector<16xi32>
    tpu.vector_store %arg7[%swap3A_496], %swap3A_499 {strides = array<i32>} : memref<128xi32, #tpu.memory_space<vmem>>, vector<16xi32>,
    "tpu.region"() ({
      %run_scoped3A = tpu.sem_alloc : memref<!tpu.dma_semaphore, #tpu.memory_space<semaphore_mem>>
      %dma_start3A = arith.constant 0 : i32
      %dma_start3A_505 = tpu.memref_slice %arg9[%dma_start3A] : memref<262144xf32, #tpu.memory_space<vmem_shared>> -> memref<262144xf32, #tpu.memory_space<vmem_shared>>
      tpu.enqueue_indirect_dma source(%arg8 : memref<128xf32, #tpu.memory_space<vmem>>) target(%dma_start3A_505 : memref<262144xf32, #tpu.memory_space<vmem_shared>>) offsets(%arg7 : memref<128xi32, #tpu.memory_space<vmem>>) semaphore(%run_scoped3A : memref<!tpu.dma_semaphore, #tpu.memory_space<semaphore_mem>>) {add = true}
      %dma_wait3A = arith.constant 0 : i32
      %dma_wait3A_506 = tpu.memref_slice %arg9[%dma_wait3A] : memref<262144xf32, #tpu.memory_space<vmem_shared>> -> memref<262144xf32, #tpu.memory_space<vmem_shared>>
      tpu.wait_indirect_dma semaphore(%run_scoped3A : memref<!tpu.dma_semaphore, #tpu.memory_space<semaphore_mem>>) src(%arg8 : memref<128xf32, #tpu.memory_space<vmem>>) dst(%dma_wait3A_506 : memref<262144xf32, #tpu.memory_space<vmem_shared>>)
      tpu.yield
    }) : () -> ()
    %barrier3A_500 = arith.constant 0 : index
    tpu.barrier barrier_id(%barrier3A_500)
    %mul3A_501 = arith.constant 16384 : i32
    %mul3A_502 = arith.muli %arg1, %mul3A_501 : i32
    %mul3A_503 = arith.constant 16384 : i32
    %mul3A_504 = arith.muli %arg1, %mul3A_503 : i32
    "tpu.region"() ({
      %run_scoped3A = tpu.sem_alloc : memref<!tpu.dma_semaphore, #tpu.memory_space<semaphore_mem>>
      %dma_start3A = tpu.memref_slice %arg4[%arg0, %mul3A_504] : memref<2x262144xf32, #tpu.memory_space<hbm>> -> memref<1x16384xf32, #tpu.memory_space<hbm>>
      %dma_start3A_505 = tpu.memref_squeeze %dma_start3A : memref<1x16384xf32, #tpu.memory_space<hbm>> -> memref<16384xf32, #tpu.memory_space<hbm>>
      %dma_start3A_506 = tpu.memref_slice %arg9[%mul3A_502] : memref<262144xf32, #tpu.memory_space<vmem_shared>> -> memref<16384xf32, #tpu.memory_space<vmem_shared>>
      tpu.enqueue_dma source(%dma_start3A_506 : memref<16384xf32, #tpu.memory_space<vmem_shared>>) target(%dma_start3A_505 : memref<16384xf32, #tpu.memory_space<hbm>>) target_semaphore(%run_scoped3A : memref<!tpu.dma_semaphore, #tpu.memory_space<semaphore_mem>>)
      %dma_wait3A = tpu.memref_slice %arg4[%arg0, %mul3A_504] : memref<2x262144xf32, #tpu.memory_space<hbm>> -> memref<1x16384xf32, #tpu.memory_space<hbm>>
      %dma_wait3A_507 = tpu.memref_squeeze %dma_wait3A : memref<1x16384xf32, #tpu.memory_space<hbm>> -> memref<16384xf32, #tpu.memory_space<hbm>>
      %dma_wait3A_508 = tpu.memref_slice %arg9[%mul3A_502] : memref<262144xf32, #tpu.memory_space<vmem_shared>> -> memref<16384xf32, #tpu.memory_space<vmem_shared>>
      tpu.wait_dma2 semaphore(%run_scoped3A : memref<!tpu.dma_semaphore, #tpu.memory_space<semaphore_mem>>) src(%dma_wait3A_508 : memref<16384xf32, #tpu.memory_space<vmem_shared>>) dst(%dma_wait3A_507 : memref<16384xf32, #tpu.memory_space<hbm>>)
      tpu.yield
    }) : () -> ()
    return
  }
}

module attributes {stable_mosaic.version = 14 : i64} {
  func.func @_dec_body(%arg0: i32, %arg1: memref<8x512xf32, #tpu.memory_space<vmem>>, %arg2: memref<512x3456xf32, #tpu.memory_space<vmem>>, %arg3: memref<1x3456xf32, #tpu.memory_space<vmem>>, %arg4: memref<512x512xf32, #tpu.memory_space<vmem>>, %arg5: memref<1x131584xf32, #tpu.memory_space<vmem>>, %arg6: memref<1xi32, #tpu.memory_space<smem>>) attributes {dimension_semantics = [#tpu.dimension_semantics<arbitrary>], iteration_bounds = array<i64: 38>, scalar_prefetch = 0 : i64, scratch_operands = 2 : i64, tpu.core_type = #tpu.core_type<tc>, window_params = [{pipeline_mode = #tpu.pipeline_mode<synchronous>, transform_indices = @transform_0, window_bounds = array<i64: 8, 512>}, {transform_indices = @transform_1, window_bounds = array<i64: 512, 3456>}, {transform_indices = @transform_2, window_bounds = array<i64: 1, 3456>}, {pipeline_mode = #tpu.pipeline_mode<synchronous>, transform_indices = @transform_3, window_bounds = array<i64: 512, 512>}]} {
    %get3A = arith.constant 0 : index
    %get3A_0 = arith.constant 0 : index
    %get3A_1 = vector.load %arg1[%get3A, %get3A_0] : memref<8x512xf32, #tpu.memory_space<vmem>>, vector<8x512xf32>
    %convert_element_type3A = arith.truncf %get3A_1 : vector<8x512xf32> to vector<8x512xbf16>
    %get3A_2 = arith.constant 0 : index
    %get3A_3 = arith.constant 0 : index
    %get3A_4 = vector.load %arg2[%get3A_2, %get3A_3] : memref<512x3456xf32, #tpu.memory_space<vmem>>, vector<512x1152xf32>
    %convert_element_type3A_5 = arith.truncf %get3A_4 : vector<512x1152xf32> to vector<512x1152xbf16>
    %dot_general3A = arith.constant dense<0.000000e+00> : vector<8x1152xf32>
    %dot_general3A_6 = tpu.matmul %convert_element_type3A, %convert_element_type3A_5, %dot_general3A {dimension_numbers = #tpu.dot_dimension_numbers<[1], [0], [0], [1], [0, 0, 1, 1], [], []>, transpose_lhs_hint = false} : vector<8x512xbf16>, vector<512x1152xbf16>, vector<8x1152xf32> -> vector<8x1152xf32>
    %slice3A = vector.extract_strided_slice %dot_general3A_6 {offsets = [0, 0], sizes = [1, 1152], strides = [1, 1]} : vector<8x1152xf32> to vector<1x1152xf32>
    %get3A_7 = arith.constant 0 : index
    %get3A_8 = arith.constant 0 : index
    %get3A_9 = vector.load %arg3[%get3A_7, %get3A_8] : memref<1x3456xf32, #tpu.memory_space<vmem>>, vector<1x1152xf32>
    %add3A = arith.addf %slice3A, %get3A_9 : vector<1x1152xf32>
    %mul3A = arith.constant 3456 : i32
    %mul3A_10 = arith.muli %arg0, %mul3A : i32
    %add3A_11 = arith.constant 0 : i32
    %add3A_12 = arith.addi %mul3A_10, %add3A_11 : i32
    %multiple_of3A = tpu.assume_multiple %add3A_12, 128 : i32
    %swap3A = arith.constant 0 : index
    %swap3A_13 = arith.index_cast %multiple_of3A : i32 to index
    %swap3A_14 = vector.load %arg5[%swap3A, %swap3A_13] : memref<1x131584xf32, #tpu.memory_space<vmem>>, vector<1x1152xf32>
    tpu.vector_store %arg5[%swap3A, %swap3A_13], %add3A {strides = array<i32>} : memref<1x131584xf32, #tpu.memory_space<vmem>>, vector<1x1152xf32>,
    %get3A_15 = arith.constant 0 : index
    %get3A_16 = arith.constant 1152 : index
    %get3A_17 = vector.load %arg2[%get3A_15, %get3A_16] : memref<512x3456xf32, #tpu.memory_space<vmem>>, vector<512x1152xf32>
    %convert_element_type3A_18 = arith.truncf %get3A_17 : vector<512x1152xf32> to vector<512x1152xbf16>
    %dot_general3A_19 = arith.constant dense<0.000000e+00> : vector<8x1152xf32>
    %dot_general3A_20 = tpu.matmul %convert_element_type3A, %convert_element_type3A_18, %dot_general3A_19 {dimension_numbers = #tpu.dot_dimension_numbers<[1], [0], [0], [1], [0, 0, 1, 1], [], []>, transpose_lhs_hint = false} : vector<8x512xbf16>, vector<512x1152xbf16>, vector<8x1152xf32> -> vector<8x1152xf32>
    %slice3A_21 = vector.extract_strided_slice %dot_general3A_20 {offsets = [0, 0], sizes = [1, 1152], strides = [1, 1]} : vector<8x1152xf32> to vector<1x1152xf32>
    %get3A_22 = arith.constant 0 : index
    %get3A_23 = arith.constant 1152 : index
    %get3A_24 = vector.load %arg3[%get3A_22, %get3A_23] : memref<1x3456xf32, #tpu.memory_space<vmem>>, vector<1x1152xf32>
    %add3A_25 = arith.addf %slice3A_21, %get3A_24 : vector<1x1152xf32>
    %mul3A_26 = arith.constant 3456 : i32
    %mul3A_27 = arith.muli %arg0, %mul3A_26 : i32
    %add3A_28 = arith.constant 1152 : i32
    %add3A_29 = arith.addi %mul3A_27, %add3A_28 : i32
    %multiple_of3A_30 = tpu.assume_multiple %add3A_29, 128 : i32
    %swap3A_31 = arith.constant 0 : index
    %swap3A_32 = arith.index_cast %multiple_of3A_30 : i32 to index
    %swap3A_33 = vector.load %arg5[%swap3A_31, %swap3A_32] : memref<1x131584xf32, #tpu.memory_space<vmem>>, vector<1x1152xf32>
    tpu.vector_store %arg5[%swap3A_31, %swap3A_32], %add3A_25 {strides = array<i32>} : memref<1x131584xf32, #tpu.memory_space<vmem>>, vector<1x1152xf32>,
    %get3A_34 = arith.constant 0 : index
    %get3A_35 = arith.constant 2304 : index
    %get3A_36 = vector.load %arg2[%get3A_34, %get3A_35] : memref<512x3456xf32, #tpu.memory_space<vmem>>, vector<512x1152xf32>
    %convert_element_type3A_37 = arith.truncf %get3A_36 : vector<512x1152xf32> to vector<512x1152xbf16>
    %dot_general3A_38 = arith.constant dense<0.000000e+00> : vector<8x1152xf32>
    %dot_general3A_39 = tpu.matmul %convert_element_type3A, %convert_element_type3A_37, %dot_general3A_38 {dimension_numbers = #tpu.dot_dimension_numbers<[1], [0], [0], [1], [0, 0, 1, 1], [], []>, transpose_lhs_hint = false} : vector<8x512xbf16>, vector<512x1152xbf16>, vector<8x1152xf32> -> vector<8x1152xf32>
    %slice3A_40 = vector.extract_strided_slice %dot_general3A_39 {offsets = [0, 0], sizes = [1, 1152], strides = [1, 1]} : vector<8x1152xf32> to vector<1x1152xf32>
    %get3A_41 = arith.constant 0 : index
    %get3A_42 = arith.constant 2304 : index
    %get3A_43 = vector.load %arg3[%get3A_41, %get3A_42] : memref<1x3456xf32, #tpu.memory_space<vmem>>, vector<1x1152xf32>
    %add3A_44 = arith.addf %slice3A_40, %get3A_43 : vector<1x1152xf32>
    %mul3A_45 = arith.constant 3456 : i32
    %mul3A_46 = arith.muli %arg0, %mul3A_45 : i32
    %add3A_47 = arith.constant 2304 : i32
    %add3A_48 = arith.addi %mul3A_46, %add3A_47 : i32
    %multiple_of3A_49 = tpu.assume_multiple %add3A_48, 128 : i32
    %swap3A_50 = arith.constant 0 : index
    %swap3A_51 = arith.index_cast %multiple_of3A_49 : i32 to index
    %swap3A_52 = vector.load %arg5[%swap3A_50, %swap3A_51] : memref<1x131584xf32, #tpu.memory_space<vmem>>, vector<1x1152xf32>
    tpu.vector_store %arg5[%swap3A_50, %swap3A_51], %add3A_44 {strides = array<i32>} : memref<1x131584xf32, #tpu.memory_space<vmem>>, vector<1x1152xf32>,
    %eq3A = arith.constant 0 : i32
    %eq3A_53 = arith.cmpi eq, %arg0, %eq3A : i32
    %convert_element_type3A_54 = arith.extui %eq3A_53 : i1 to i32
    %cond3A = arith.constant 0 : i32
    %cond3A_55 = arith.cmpi ne, %convert_element_type3A_54, %cond3A : i32
    scf.if %cond3A_55 {
      %swap3A_64 = arith.constant 0 : i32
      %swap3A_65 = arith.constant 0 : index
      %swap3A_66 = memref.load %arg6[%swap3A_65] : memref<1xi32, #tpu.memory_space<smem>>
      memref.store %swap3A_64, %arg6[%swap3A_65] : memref<1xi32, #tpu.memory_space<smem>>
    } else {
    }
    %iota3A = tpu.iota {dimensions = array<i32: 1>} : vector<1x512xi32>
    %add3A_56 = arith.constant 1 : i32
    %add3A_57 = arith.addi %arg0, %add3A_56 : i32
    %mul3A_58 = arith.constant 3456 : i32
    %mul3A_59 = arith.muli %add3A_57, %mul3A_58 : i32
    %get3A_60 = arith.constant 0 : index
    %get3A_61 = memref.load %arg6[%get3A_60] : memref<1xi32, #tpu.memory_space<smem>>
    %while3A = scf.while (%while3A_64 = %get3A_61) : (i32) -> i32 {
      %lt3A = arith.constant 512 : i32
      %lt3A_65 = arith.cmpi slt, %while3A_64, %lt3A : i32
      %mul3A_66 = arith.muli %while3A_64, %while3A_64 : i32
      %mul3A_67 = arith.constant 3 : i32
      %mul3A_68 = arith.muli %mul3A_67, %while3A_64 : i32
      %add3A_69 = arith.addi %mul3A_66, %mul3A_68 : i32
      %add3A_70 = arith.constant 2 : i32
      %add3A_71 = arith.addi %add3A_69, %add3A_70 : i32
      %jit3A = arith.constant 2 : i32
      %div3A = arith.divsi %add3A_71, %jit3A : i32
      %sign3A = arith.constant 0 : i32
      %sign3A_72 = arith.cmpi sgt, %add3A_71, %sign3A : i32
      %sign3A_73 = arith.extui %sign3A_72 : i1 to i32
      %sign3A_74 = arith.constant 0 : i32
      %sign3A_75 = arith.cmpi slt, %add3A_71, %sign3A_74 : i32
      %sign3A_76 = arith.extui %sign3A_75 : i1 to i32
      %sign3A_77 = arith.subi %sign3A_73, %sign3A_76 : i32
      %sign3A_78 = arith.constant 0 : i32
      %sign3A_79 = arith.cmpi sgt, %jit3A, %sign3A_78 : i32
      %sign3A_80 = arith.extui %sign3A_79 : i1 to i32
      %sign3A_81 = arith.constant 0 : i32
      %sign3A_82 = arith.cmpi slt, %jit3A, %sign3A_81 : i32
      %sign3A_83 = arith.extui %sign3A_82 : i1 to i32
      %sign3A_84 = arith.subi %sign3A_80, %sign3A_83 : i32
      %ne3A = arith.cmpi ne, %sign3A_77, %sign3A_84 : i32
      %rem3A = arith.remsi %add3A_71, %jit3A : i32
      %ne3A_85 = arith.constant 0 : i32
      %ne3A_86 = arith.cmpi ne, %rem3A, %ne3A_85 : i32
      %and3A = arith.andi %ne3A, %ne3A_86 : i1
      %sub3A = arith.constant 1 : i32
      %sub3A_87 = arith.subi %div3A, %sub3A : i32
      %select_n3A = arith.select %and3A, %sub3A_87, %div3A : i32
      %le3A = arith.cmpi sle, %select_n3A, %mul3A_59 : i32
      %and3A_88 = arith.andi %lt3A_65, %le3A : i1
      scf.condition(%and3A_88) %while3A_64 : i32
    } do {
    ^bb0(%while3A_64: i32):
      %add3A_65 = arith.constant 1 : i32
      %add3A_66 = arith.addi %while3A_64, %add3A_65 : i32
      %mul3A_67 = arith.muli %while3A_64, %add3A_66 : i32
      %jit3A = arith.constant 2 : i32
      %div3A = arith.divsi %mul3A_67, %jit3A : i32
      %sign3A = arith.constant 0 : i32
      %sign3A_68 = arith.cmpi sgt, %mul3A_67, %sign3A : i32
      %sign3A_69 = arith.extui %sign3A_68 : i1 to i32
      %sign3A_70 = arith.constant 0 : i32
      %sign3A_71 = arith.cmpi slt, %mul3A_67, %sign3A_70 : i32
      %sign3A_72 = arith.extui %sign3A_71 : i1 to i32
      %sign3A_73 = arith.subi %sign3A_69, %sign3A_72 : i32
      %sign3A_74 = arith.constant 0 : i32
      %sign3A_75 = arith.cmpi sgt, %jit3A, %sign3A_74 : i32
      %sign3A_76 = arith.extui %sign3A_75 : i1 to i32
      %sign3A_77 = arith.constant 0 : i32
      %sign3A_78 = arith.cmpi slt, %jit3A, %sign3A_77 : i32
      %sign3A_79 = arith.extui %sign3A_78 : i1 to i32
      %sign3A_80 = arith.subi %sign3A_76, %sign3A_79 : i32
      %ne3A = arith.cmpi ne, %sign3A_73, %sign3A_80 : i32
      %rem3A = arith.remsi %mul3A_67, %jit3A : i32
      %ne3A_81 = arith.constant 0 : i32
      %ne3A_82 = arith.cmpi ne, %rem3A, %ne3A_81 : i32
      %and3A = arith.andi %ne3A, %ne3A_82 : i1
      %sub3A = arith.constant 1 : i32
      %sub3A_83 = arith.subi %div3A, %sub3A : i32
      %select_n3A = arith.select %and3A, %sub3A_83, %div3A : i32
      %jit3A_84 = arith.constant 128 : i32
      %div3A_85 = arith.divsi %select_n3A, %jit3A_84 : i32
      %sign3A_86 = arith.constant 0 : i32
      %sign3A_87 = arith.cmpi sgt, %select_n3A, %sign3A_86 : i32
      %sign3A_88 = arith.extui %sign3A_87 : i1 to i32
      %sign3A_89 = arith.constant 0 : i32
      %sign3A_90 = arith.cmpi slt, %select_n3A, %sign3A_89 : i32
      %sign3A_91 = arith.extui %sign3A_90 : i1 to i32
      %sign3A_92 = arith.subi %sign3A_88, %sign3A_91 : i32
      %sign3A_93 = arith.constant 0 : i32
      %sign3A_94 = arith.cmpi sgt, %jit3A_84, %sign3A_93 : i32
      %sign3A_95 = arith.extui %sign3A_94 : i1 to i32
      %sign3A_96 = arith.constant 0 : i32
      %sign3A_97 = arith.cmpi slt, %jit3A_84, %sign3A_96 : i32
      %sign3A_98 = arith.extui %sign3A_97 : i1 to i32
      %sign3A_99 = arith.subi %sign3A_95, %sign3A_98 : i32
      %ne3A_100 = arith.cmpi ne, %sign3A_92, %sign3A_99 : i32
      %rem3A_101 = arith.remsi %select_n3A, %jit3A_84 : i32
      %ne3A_102 = arith.constant 0 : i32
      %ne3A_103 = arith.cmpi ne, %rem3A_101, %ne3A_102 : i32
      %and3A_104 = arith.andi %ne3A_100, %ne3A_103 : i1
      %sub3A_105 = arith.constant 1 : i32
      %sub3A_106 = arith.subi %div3A_85, %sub3A_105 : i32
      %select_n3A_107 = arith.select %and3A_104, %sub3A_106, %div3A_85 : i32
      %mul3A_108 = arith.constant 128 : i32
      %mul3A_109 = arith.muli %select_n3A_107, %mul3A_108 : i32
      %multiple_of3A_110 = tpu.assume_multiple %mul3A_109, 128 : i32
      %sub3A_111 = arith.subi %select_n3A, %multiple_of3A_110 : i32
      %get3A_112 = arith.constant 0 : index
      %get3A_113 = arith.index_cast %multiple_of3A_110 : i32 to index
      %get3A_114 = vector.load %arg5[%get3A_112, %get3A_113] : memref<1x131584xf32, #tpu.memory_space<vmem>>, vector<1x640xf32>
      %sub3A_115 = arith.constant 640 : i32
      %sub3A_116 = arith.subi %sub3A_115, %sub3A_111 : i32
      %rem3A_117 = arith.constant 640 : i32
      %rem3A_118 = arith.remsi %sub3A_116, %rem3A_117 : i32
      %roll3A = tpu.dynamic_rotate %get3A_114 by %rem3A_118 dim 1 : vector<1x640xf32>, i32 -> vector<1x640xf32>
      %slice3A_119 = vector.extract_strided_slice %roll3A {offsets = [0, 0], sizes = [1, 512], strides = [1, 1]} : vector<1x640xf32> to vector<1x512xf32>
      %le3A = vector.broadcast %while3A_64 : i32 to vector<1x512xi32>
      %le3A_120 = arith.cmpi sle, %iota3A, %le3A : vector<1x512xi32>
      %jit3A_121 = arith.constant 0.000000e+00 : f32
      %broadcast_in_dim3A = vector.broadcast %jit3A_121 : f32 to vector<1x512xf32>
      %select_n3A_122 = arith.select %le3A_120, %slice3A_119, %broadcast_in_dim3A : vector<1x512xi1>, vector<1x512xf32>
      %swap3A_123 = arith.index_cast %while3A_64 : i32 to index
      %swap3A_124 = arith.constant 0 : index
      %swap3A_125 = vector.load %arg4[%swap3A_123, %swap3A_124] : memref<512x512xf32, #tpu.memory_space<vmem>>, vector<1x512xf32>
      tpu.vector_store %arg4[%swap3A_123, %swap3A_124], %select_n3A_122 {strides = array<i32>} : memref<512x512xf32, #tpu.memory_space<vmem>>, vector<1x512xf32>,
      %add3A_126 = arith.constant 1 : i32
      %add3A_127 = arith.addi %while3A_64, %add3A_126 : i32
      scf.yield %add3A_127 : i32
    }
    %swap3A_62 = arith.constant 0 : index
    %swap3A_63 = memref.load %arg6[%swap3A_62] : memref<1xi32, #tpu.memory_space<smem>>
    memref.store %while3A, %arg6[%swap3A_62] : memref<1xi32, #tpu.memory_space<smem>>
    return
  }
  func.func @transform_0(%arg0: i32) -> (i32, i32) {
    %c0_i32 = arith.constant 0 : i32
    %c0_i32_0 = arith.constant 0 : i32
    %c0_i32_1 = arith.constant 0 : i32
    return %c0_i32, %c0_i32_0 : i32, i32
  }
  func.func @transform_1(%arg0: i32) -> (i32, i32) {
    %c0_i32 = arith.constant 0 : i32
    %c0_i32_0 = arith.constant 0 : i32
    return %c0_i32, %arg0 : i32, i32
  }
  func.func @transform_2(%arg0: i32) -> (i32, i32) {
    %c0_i32 = arith.constant 0 : i32
    %c0_i32_0 = arith.constant 0 : i32
    return %c0_i32, %arg0 : i32, i32
  }
  func.func @transform_3(%arg0: i32) -> (i32, i32) {
    %c0_i32 = arith.constant 0 : i32
    %c0_i32_0 = arith.constant 0 : i32
    %c0_i32_1 = arith.constant 0 : i32
    return %c0_i32, %c0_i32_0 : i32, i32
  }
}

module attributes {stable_mosaic.version = 14 : i64} {
  func.func @_enc_body(%arg0: memref<512x512xf32, #tpu.memory_space<vmem>>, %arg1: memref<512x512xf32, #tpu.memory_space<vmem>>, %arg2: memref<512x512xf32, #tpu.memory_space<vmem>>, %arg3: memref<512x1xf32, #tpu.memory_space<vmem>>, %arg4: memref<512x512xf32, #tpu.memory_space<vmem>>, %arg5: memref<1x512xf32, #tpu.memory_space<vmem>>, %arg6: memref<1x512xf32, #tpu.memory_space<vmem>>, %arg7: memref<1x512xf32, #tpu.memory_space<vmem>>, %arg8: memref<512x512xf32, #tpu.memory_space<vmem>>, %arg9: memref<1x512xf32, #tpu.memory_space<vmem>>, %arg10: memref<1x512xf32, #tpu.memory_space<vmem>>, %arg11: memref<1x512xf32, #tpu.memory_space<vmem>>, %arg12: memref<512x512xf32, #tpu.memory_space<vmem>>, %arg13: memref<1x512xf32, #tpu.memory_space<vmem>>, %arg14: memref<1x512xf32, #tpu.memory_space<vmem>>, %arg15: memref<1x512xf32, #tpu.memory_space<vmem>>, %arg16: memref<1x512xf32, #tpu.memory_space<vmem>>, %arg17: memref<512x512xf32, #tpu.memory_space<vmem>>, %arg18: memref<1x512xf32, #tpu.memory_space<vmem>>, %arg19: memref<1x512xf32, #tpu.memory_space<vmem>>, %arg20: memref<1x512xf32, #tpu.memory_space<vmem>>, %arg21: memref<1x512xf32, #tpu.memory_space<vmem>>, %arg22: memref<512x128xf32, #tpu.memory_space<vmem>>, %arg23: memref<1x128xf32, #tpu.memory_space<vmem>>, %arg24: memref<512x128xf32, #tpu.memory_space<vmem>>, %arg25: memref<1x128xf32, #tpu.memory_space<vmem>>, %arg26: memref<512x128xf32, #tpu.memory_space<vmem>>, %arg27: memref<1x128xf32, #tpu.memory_space<vmem>>, %arg28: memref<512x128xf32, #tpu.memory_space<vmem>>, %arg29: memref<1x128xf32, #tpu.memory_space<vmem>>, %arg30: memref<1x128xf32, #tpu.memory_space<vmem>>, %arg31: memref<1x128xf32, #tpu.memory_space<vmem>>, %arg32: memref<256x512xf32, #tpu.memory_space<vmem>>, %arg33: memref<1x512xf32, #tpu.memory_space<vmem>>, %arg34: memref<1x512xf32, #tpu.memory_space<vmem>>) attributes {dimension_semantics = [], scalar_prefetch = 0 : i64, scratch_operands = 0 : i64, tpu.core_type = #tpu.core_type<tc>} {
    %get3A = arith.constant 0 : index
    %get3A_0 = arith.constant 0 : index
    %get3A_1 = vector.load %arg0[%get3A, %get3A_0] : memref<512x512xf32, #tpu.memory_space<vmem>>, vector<512x512xf32>
    %get3A_2 = arith.constant 0 : index
    %get3A_3 = arith.constant 0 : index
    %get3A_4 = vector.load %arg1[%get3A_2, %get3A_3] : memref<512x512xf32, #tpu.memory_space<vmem>>, vector<512x512xf32>
    %add3A = arith.addf %get3A_1, %get3A_4 : vector<512x512xf32>
    %iota3A = tpu.iota {dimensions = array<i32: 0>} : vector<512x512xi32>
    %iota3A_5 = tpu.iota {dimensions = array<i32: 1>} : vector<512x512xi32>
    %eq3A = arith.cmpi eq, %iota3A, %iota3A_5 : vector<512x512xi32>
    %convert_element_type3A = arith.extui %eq3A : vector<512x512xi1> to vector<512x512xi32>
    %convert_element_type3A_6 = arith.sitofp %convert_element_type3A : vector<512x512xi32> to vector<512x512xf32>
    %reduce_sum3A = arith.constant dense<0.000000e+00> : vector<512xf32>
    %reduce_sum3A_7 = vector.multi_reduction <add>, %add3A, %reduce_sum3A [1] : vector<512x512xf32> to vector<512xf32>
    %broadcast_in_dim3A = vector.shape_cast %reduce_sum3A_7 : vector<512xf32> to vector<512x1xf32>
    %add3A_8 = arith.constant 1.000000e+00 : f32
    %add3A_9 = vector.broadcast %add3A_8 : f32 to vector<512x1xf32>
    %add3A_10 = arith.addf %add3A_9, %broadcast_in_dim3A : vector<512x1xf32>
    %sqrt3A = math.sqrt %add3A_10 : vector<512x1xf32>
    %div3A = arith.constant 1.000000e+00 : f32
    %div3A_11 = vector.broadcast %div3A : f32 to vector<512x1xf32>
    %div3A_12 = arith.divf %div3A_11, %sqrt3A : vector<512x1xf32>
    %mul3A = vector.broadcast %div3A_12 : vector<512x1xf32> to vector<512x512xf32>
    %mul3A_13 = arith.mulf %convert_element_type3A_6, %mul3A : vector<512x512xf32>
    %reduce_sum3A_14 = arith.constant dense<0.000000e+00> : vector<512xf32>
    %reduce_sum3A_15 = vector.multi_reduction <add>, %mul3A_13, %reduce_sum3A_14 [0] : vector<512x512xf32> to vector<512xf32>
    %broadcast_in_dim3A_16 = vector.shape_cast %reduce_sum3A_15 : vector<512xf32> to vector<1x512xf32>
    %mul3A_17 = vector.broadcast %div3A_12 : vector<512x1xf32> to vector<512x512xf32>
    %mul3A_18 = arith.mulf %mul3A_17, %add3A : vector<512x512xf32>
    %mul3A_19 = vector.broadcast %broadcast_in_dim3A_16 : vector<1x512xf32> to vector<512x512xf32>
    %mul3A_20 = arith.mulf %mul3A_18, %mul3A_19 : vector<512x512xf32>
    %mul3A_21 = arith.mulf %div3A_12, %div3A_12 : vector<512x1xf32>
    %mul3A_22 = vector.broadcast %mul3A_21 : vector<512x1xf32> to vector<512x512xf32>
    %mul3A_23 = arith.mulf %convert_element_type3A_6, %mul3A_22 : vector<512x512xf32>
    %add3A_24 = arith.addf %mul3A_20, %mul3A_23 : vector<512x512xf32>
    %get3A_25 = arith.constant 0 : index
    %get3A_26 = arith.constant 0 : index
    %get3A_27 = vector.load %arg2[%get3A_25, %get3A_26] : memref<512x512xf32, #tpu.memory_space<vmem>>, vector<512x512xf32>
    %abs3A = math.absf %get3A_27 : vector<512x512xf32>
    %get3A_28 = arith.constant 0 : index
    %get3A_29 = arith.constant 0 : index
    %get3A_30 = vector.load %arg4[%get3A_28, %get3A_29] : memref<512x512xf32, #tpu.memory_space<vmem>>, vector<512x512xf32>
    %convert_element_type3A_31 = arith.truncf %abs3A : vector<512x512xf32> to vector<512x512xbf16>
    %convert_element_type3A_32 = arith.truncf %get3A_30 : vector<512x512xf32> to vector<512x512xbf16>
    %dot_general3A = arith.constant dense<0.000000e+00> : vector<512x512xf32>
    %dot_general3A_33 = tpu.matmul %convert_element_type3A_31, %convert_element_type3A_32, %dot_general3A {dimension_numbers = #tpu.dot_dimension_numbers<[1], [0], [0], [1], [0, 0, 1, 1], [], []>, transpose_lhs_hint = false} : vector<512x512xbf16>, vector<512x512xbf16>, vector<512x512xf32> -> vector<512x512xf32>
    %dot_general3A_34 = arith.constant dense<0.000000e+00> : vector<512x512xf32>
    %dot_general3A_35 = tpu.matmul %add3A_24, %dot_general3A_33, %dot_general3A_34 {dimension_numbers = #tpu.dot_dimension_numbers<[1], [0], [0], [1], [0, 0, 1, 1], [], []>, precision = #tpu.contract_precision<fp32>, transpose_lhs_hint = false} : vector<512x512xf32>, vector<512x512xf32>, vector<512x512xf32> -> vector<512x512xf32>
    %get3A_36 = arith.constant 0 : index
    %get3A_37 = arith.constant 0 : index
    %get3A_38 = vector.load %arg5[%get3A_36, %get3A_37] : memref<1x512xf32, #tpu.memory_space<vmem>>, vector<1x512xf32>
    %add3A_39 = vector.broadcast %get3A_38 : vector<1x512xf32> to vector<512x512xf32>
    %add3A_40 = arith.addf %dot_general3A_35, %add3A_39 : vector<512x512xf32>
    %reduce_sum3A_41 = arith.constant dense<0.000000e+00> : vector<512xf32>
    %reduce_sum3A_42 = vector.multi_reduction <add>, %add3A_40, %reduce_sum3A_41 [0] : vector<512x512xf32> to vector<512xf32>
    %broadcast_in_dim3A_43 = vector.shape_cast %reduce_sum3A_42 : vector<512xf32> to vector<1x512xf32>
    %div3A_44 = arith.constant 5.120000e+02 : f32
    %div3A_45 = vector.broadcast %div3A_44 : f32 to vector<1x512xf32>
    %div3A_46 = arith.divf %broadcast_in_dim3A_43, %div3A_45 : vector<1x512xf32>
    %sub3A = vector.broadcast %div3A_46 : vector<1x512xf32> to vector<512x512xf32>
    %sub3A_47 = arith.subf %add3A_40, %sub3A : vector<512x512xf32>
    %mul3A_48 = arith.mulf %sub3A_47, %sub3A_47 : vector<512x512xf32>
    %reduce_sum3A_49 = arith.constant dense<0.000000e+00> : vector<512xf32>
    %reduce_sum3A_50 = vector.multi_reduction <add>, %mul3A_48, %reduce_sum3A_49 [0] : vector<512x512xf32> to vector<512xf32>
    %broadcast_in_dim3A_51 = vector.shape_cast %reduce_sum3A_50 : vector<512xf32> to vector<1x512xf32>
    %div3A_52 = arith.constant 5.120000e+02 : f32
    %div3A_53 = vector.broadcast %div3A_52 : f32 to vector<1x512xf32>
    %div3A_54 = arith.divf %broadcast_in_dim3A_51, %div3A_53 : vector<1x512xf32>
    %add3A_55 = arith.constant 9.99999974E-6 : f32
    %add3A_56 = vector.broadcast %add3A_55 : f32 to vector<1x512xf32>
    %add3A_57 = arith.addf %div3A_54, %add3A_56 : vector<1x512xf32>
    %sqrt3A_58 = math.sqrt %add3A_57 : vector<1x512xf32>
    %div3A_59 = vector.broadcast %sqrt3A_58 : vector<1x512xf32> to vector<512x512xf32>
    %div3A_60 = arith.divf %sub3A_47, %div3A_59 : vector<512x512xf32>
    %get3A_61 = arith.constant 0 : index
    %get3A_62 = arith.constant 0 : index
    %get3A_63 = vector.load %arg6[%get3A_61, %get3A_62] : memref<1x512xf32, #tpu.memory_space<vmem>>, vector<1x512xf32>
    %mul3A_64 = vector.broadcast %get3A_63 : vector<1x512xf32> to vector<512x512xf32>
    %mul3A_65 = arith.mulf %div3A_60, %mul3A_64 : vector<512x512xf32>
    %get3A_66 = arith.constant 0 : index
    %get3A_67 = arith.constant 0 : index
    %get3A_68 = vector.load %arg7[%get3A_66, %get3A_67] : memref<1x512xf32, #tpu.memory_space<vmem>>, vector<1x512xf32>
    %add3A_69 = vector.broadcast %get3A_68 : vector<1x512xf32> to vector<512x512xf32>
    %add3A_70 = arith.addf %mul3A_65, %add3A_69 : vector<512x512xf32>
    %abs3A_71 = math.absf %add3A_70 : vector<512x512xf32>
    %get3A_72 = arith.constant 0 : index
    %get3A_73 = arith.constant 0 : index
    %get3A_74 = vector.load %arg8[%get3A_72, %get3A_73] : memref<512x512xf32, #tpu.memory_space<vmem>>, vector<512x512xf32>
    %convert_element_type3A_75 = arith.truncf %abs3A_71 : vector<512x512xf32> to vector<512x512xbf16>
    %convert_element_type3A_76 = arith.truncf %get3A_74 : vector<512x512xf32> to vector<512x512xbf16>
    %dot_general3A_77 = arith.constant dense<0.000000e+00> : vector<512x512xf32>
    %dot_general3A_78 = tpu.matmul %convert_element_type3A_75, %convert_element_type3A_76, %dot_general3A_77 {dimension_numbers = #tpu.dot_dimension_numbers<[1], [0], [0], [1], [0, 0, 1, 1], [], []>, transpose_lhs_hint = false} : vector<512x512xbf16>, vector<512x512xbf16>, vector<512x512xf32> -> vector<512x512xf32>
    %dot_general3A_79 = arith.constant dense<0.000000e+00> : vector<512x512xf32>
    %dot_general3A_80 = tpu.matmul %add3A_24, %dot_general3A_78, %dot_general3A_79 {dimension_numbers = #tpu.dot_dimension_numbers<[1], [0], [0], [1], [0, 0, 1, 1], [], []>, precision = #tpu.contract_precision<fp32>, transpose_lhs_hint = false} : vector<512x512xf32>, vector<512x512xf32>, vector<512x512xf32> -> vector<512x512xf32>
    %get3A_81 = arith.constant 0 : index
    %get3A_82 = arith.constant 0 : index
    %get3A_83 = vector.load %arg9[%get3A_81, %get3A_82] : memref<1x512xf32, #tpu.memory_space<vmem>>, vector<1x512xf32>
    %add3A_84 = vector.broadcast %get3A_83 : vector<1x512xf32> to vector<512x512xf32>
    %add3A_85 = arith.addf %dot_general3A_80, %add3A_84 : vector<512x512xf32>
    %reduce_sum3A_86 = arith.constant dense<0.000000e+00> : vector<512xf32>
    %reduce_sum3A_87 = vector.multi_reduction <add>, %add3A_85, %reduce_sum3A_86 [0] : vector<512x512xf32> to vector<512xf32>
    %broadcast_in_dim3A_88 = vector.shape_cast %reduce_sum3A_87 : vector<512xf32> to vector<1x512xf32>
    %div3A_89 = arith.constant 5.120000e+02 : f32
    %div3A_90 = vector.broadcast %div3A_89 : f32 to vector<1x512xf32>
    %div3A_91 = arith.divf %broadcast_in_dim3A_88, %div3A_90 : vector<1x512xf32>
    %sub3A_92 = vector.broadcast %div3A_91 : vector<1x512xf32> to vector<512x512xf32>
    %sub3A_93 = arith.subf %add3A_85, %sub3A_92 : vector<512x512xf32>
    %mul3A_94 = arith.mulf %sub3A_93, %sub3A_93 : vector<512x512xf32>
    %reduce_sum3A_95 = arith.constant dense<0.000000e+00> : vector<512xf32>
    %reduce_sum3A_96 = vector.multi_reduction <add>, %mul3A_94, %reduce_sum3A_95 [0] : vector<512x512xf32> to vector<512xf32>
    %broadcast_in_dim3A_97 = vector.shape_cast %reduce_sum3A_96 : vector<512xf32> to vector<1x512xf32>
    %div3A_98 = arith.constant 5.120000e+02 : f32
    %div3A_99 = vector.broadcast %div3A_98 : f32 to vector<1x512xf32>
    %div3A_100 = arith.divf %broadcast_in_dim3A_97, %div3A_99 : vector<1x512xf32>
    %add3A_101 = arith.constant 9.99999974E-6 : f32
    %add3A_102 = vector.broadcast %add3A_101 : f32 to vector<1x512xf32>
    %add3A_103 = arith.addf %div3A_100, %add3A_102 : vector<1x512xf32>
    %sqrt3A_104 = math.sqrt %add3A_103 : vector<1x512xf32>
    %div3A_105 = vector.broadcast %sqrt3A_104 : vector<1x512xf32> to vector<512x512xf32>
    %div3A_106 = arith.divf %sub3A_93, %div3A_105 : vector<512x512xf32>
    %get3A_107 = arith.constant 0 : index
    %get3A_108 = arith.constant 0 : index
    %get3A_109 = vector.load %arg10[%get3A_107, %get3A_108] : memref<1x512xf32, #tpu.memory_space<vmem>>, vector<1x512xf32>
    %mul3A_110 = vector.broadcast %get3A_109 : vector<1x512xf32> to vector<512x512xf32>
    %mul3A_111 = arith.mulf %div3A_106, %mul3A_110 : vector<512x512xf32>
    %get3A_112 = arith.constant 0 : index
    %get3A_113 = arith.constant 0 : index
    %get3A_114 = vector.load %arg11[%get3A_112, %get3A_113] : memref<1x512xf32, #tpu.memory_space<vmem>>, vector<1x512xf32>
    %add3A_115 = vector.broadcast %get3A_114 : vector<1x512xf32> to vector<512x512xf32>
    %add3A_116 = arith.addf %mul3A_111, %add3A_115 : vector<512x512xf32>
    %max3A = arith.constant 0.000000e+00 : f32
    %max3A_117 = vector.broadcast %max3A : f32 to vector<512x512xf32>
    %max3A_118 = arith.maximumf %add3A_116, %max3A_117 : vector<512x512xf32>
    %convert_element_type3A_119 = arith.truncf %max3A_118 : vector<512x512xf32> to vector<512x512xbf16>
    %convert_element_type3A_120 = arith.extf %convert_element_type3A_119 : vector<512x512xbf16> to vector<512x512xf32>
    %get3A_121 = arith.constant 0 : index
    %get3A_122 = arith.constant 0 : index
    %get3A_123 = vector.load %arg21[%get3A_121, %get3A_122] : memref<1x512xf32, #tpu.memory_space<vmem>>, vector<1x512xf32>
    %convert_element_type3A_124 = arith.truncf %get3A_123 : vector<1x512xf32> to vector<1x512xbf16>
    %convert_element_type3A_125 = arith.extf %convert_element_type3A_124 : vector<1x512xbf16> to vector<1x512xf32>
    %mul3A_126 = vector.broadcast %convert_element_type3A_125 : vector<1x512xf32> to vector<512x512xf32>
    %mul3A_127 = arith.mulf %convert_element_type3A_120, %mul3A_126 : vector<512x512xf32>
    %reduce_sum3A_128 = arith.constant dense<0.000000e+00> : vector<512xf32>
    %reduce_sum3A_129 = vector.multi_reduction <add>, %mul3A_127, %reduce_sum3A_128 [1] : vector<512x512xf32> to vector<512xf32>
    %broadcast_in_dim3A_130 = vector.shape_cast %reduce_sum3A_129 : vector<512xf32> to vector<512x1xf32>
    %reduce_max3A = arith.constant dense<0xFF800000> : vector<1xf32>
    %reduce_max3A_131 = vector.multi_reduction <maximumf>, %broadcast_in_dim3A_130, %reduce_max3A [0] : vector<512x1xf32> to vector<1xf32>
    %broadcast_in_dim3A_132 = vector.shape_cast %reduce_max3A_131 : vector<1xf32> to vector<1x1xf32>
    %sub3A_133 = vector.broadcast %broadcast_in_dim3A_132 : vector<1x1xf32> to vector<512x1xf32>
    %sub3A_134 = arith.subf %broadcast_in_dim3A_130, %sub3A_133 : vector<512x1xf32>
    %exp3A = math.exp %sub3A_134 : vector<512x1xf32>
    %reduce_sum3A_135 = arith.constant dense<0.000000e+00> : vector<1xf32>
    %reduce_sum3A_136 = vector.multi_reduction <add>, %exp3A, %reduce_sum3A_135 [0] : vector<512x1xf32> to vector<1xf32>
    %broadcast_in_dim3A_137 = vector.shape_cast %reduce_sum3A_136 : vector<1xf32> to vector<1x1xf32>
    %div3A_138 = vector.broadcast %broadcast_in_dim3A_137 : vector<1x1xf32> to vector<512x1xf32>
    %div3A_139 = arith.divf %exp3A, %div3A_138 : vector<512x1xf32>
    %reduce_sum3A_140 = arith.constant dense<0.000000e+00> : vector<512xf32>
    %reduce_sum3A_141 = vector.multi_reduction <add>, %max3A_118, %reduce_sum3A_140 [1] : vector<512x512xf32> to vector<512xf32>
    %broadcast_in_dim3A_142 = vector.shape_cast %reduce_sum3A_141 : vector<512xf32> to vector<512x1xf32>
    %mul3A_143 = arith.mulf %div3A_139, %broadcast_in_dim3A_142 : vector<512x1xf32>
    %get3A_144 = arith.constant 0 : index
    %get3A_145 = arith.constant 0 : index
    %get3A_146 = vector.load %arg12[%get3A_144, %get3A_145] : memref<512x512xf32, #tpu.memory_space<vmem>>, vector<512x512xf32>
    %convert_element_type3A_147 = arith.truncf %abs3A : vector<512x512xf32> to vector<512x512xbf16>
    %convert_element_type3A_148 = arith.truncf %get3A_146 : vector<512x512xf32> to vector<512x512xbf16>
    %dot_general3A_149 = arith.constant dense<0.000000e+00> : vector<512x512xf32>
    %dot_general3A_150 = tpu.matmul %convert_element_type3A_147, %convert_element_type3A_148, %dot_general3A_149 {dimension_numbers = #tpu.dot_dimension_numbers<[1], [0], [0], [1], [0, 0, 1, 1], [], []>, transpose_lhs_hint = false} : vector<512x512xbf16>, vector<512x512xbf16>, vector<512x512xf32> -> vector<512x512xf32>
    %get3A_151 = arith.constant 0 : index
    %get3A_152 = arith.constant 0 : index
    %get3A_153 = vector.load %arg3[%get3A_151, %get3A_152] : memref<512x1xf32, #tpu.memory_space<vmem>>, vector<512x1xf32>
    %abs3A_154 = math.absf %get3A_153 : vector<512x1xf32>
    %convert_element_type3A_155 = arith.truncf %abs3A_154 : vector<512x1xf32> to vector<512x1xbf16>
    %convert_element_type3A_156 = arith.extf %convert_element_type3A_155 : vector<512x1xbf16> to vector<512x1xf32>
    %get3A_157 = arith.constant 0 : index
    %get3A_158 = arith.constant 0 : index
    %get3A_159 = vector.load %arg13[%get3A_157, %get3A_158] : memref<1x512xf32, #tpu.memory_space<vmem>>, vector<1x512xf32>
    %convert_element_type3A_160 = arith.truncf %get3A_159 : vector<1x512xf32> to vector<1x512xbf16>
    %convert_element_type3A_161 = arith.extf %convert_element_type3A_160 : vector<1x512xbf16> to vector<1x512xf32>
    %mul3A_162 = vector.broadcast %convert_element_type3A_156 : vector<512x1xf32> to vector<512x512xf32>
    %mul3A_163 = vector.broadcast %convert_element_type3A_161 : vector<1x512xf32> to vector<512x512xf32>
    %mul3A_164 = arith.mulf %mul3A_162, %mul3A_163 : vector<512x512xf32>
    %add3A_165 = arith.addf %dot_general3A_150, %mul3A_164 : vector<512x512xf32>
    %dot_general3A_166 = arith.constant dense<0.000000e+00> : vector<512x512xf32>
    %dot_general3A_167 = tpu.matmul %add3A_24, %add3A_165, %dot_general3A_166 {dimension_numbers = #tpu.dot_dimension_numbers<[1], [0], [0], [1], [0, 0, 1, 1], [], []>, precision = #tpu.contract_precision<fp32>, transpose_lhs_hint = false} : vector<512x512xf32>, vector<512x512xf32>, vector<512x512xf32> -> vector<512x512xf32>
    %get3A_168 = arith.constant 0 : index
    %get3A_169 = arith.constant 0 : index
    %get3A_170 = vector.load %arg14[%get3A_168, %get3A_169] : memref<1x512xf32, #tpu.memory_space<vmem>>, vector<1x512xf32>
    %add3A_171 = vector.broadcast %get3A_170 : vector<1x512xf32> to vector<512x512xf32>
    %add3A_172 = arith.addf %dot_general3A_167, %add3A_171 : vector<512x512xf32>
    %reduce_sum3A_173 = arith.constant dense<0.000000e+00> : vector<512xf32>
    %reduce_sum3A_174 = vector.multi_reduction <add>, %add3A_172, %reduce_sum3A_173 [0] : vector<512x512xf32> to vector<512xf32>
    %broadcast_in_dim3A_175 = vector.shape_cast %reduce_sum3A_174 : vector<512xf32> to vector<1x512xf32>
    %div3A_176 = arith.constant 5.120000e+02 : f32
    %div3A_177 = vector.broadcast %div3A_176 : f32 to vector<1x512xf32>
    %div3A_178 = arith.divf %broadcast_in_dim3A_175, %div3A_177 : vector<1x512xf32>
    %sub3A_179 = vector.broadcast %div3A_178 : vector<1x512xf32> to vector<512x512xf32>
    %sub3A_180 = arith.subf %add3A_172, %sub3A_179 : vector<512x512xf32>
    %mul3A_181 = arith.mulf %sub3A_180, %sub3A_180 : vector<512x512xf32>
    %reduce_sum3A_182 = arith.constant dense<0.000000e+00> : vector<512xf32>
    %reduce_sum3A_183 = vector.multi_reduction <add>, %mul3A_181, %reduce_sum3A_182 [0] : vector<512x512xf32> to vector<512xf32>
    %broadcast_in_dim3A_184 = vector.shape_cast %reduce_sum3A_183 : vector<512xf32> to vector<1x512xf32>
    %div3A_185 = arith.constant 5.120000e+02 : f32
    %div3A_186 = vector.broadcast %div3A_185 : f32 to vector<1x512xf32>
    %div3A_187 = arith.divf %broadcast_in_dim3A_184, %div3A_186 : vector<1x512xf32>
    %add3A_188 = arith.constant 9.99999974E-6 : f32
    %add3A_189 = vector.broadcast %add3A_188 : f32 to vector<1x512xf32>
    %add3A_190 = arith.addf %div3A_187, %add3A_189 : vector<1x512xf32>
    %sqrt3A_191 = math.sqrt %add3A_190 : vector<1x512xf32>
    %div3A_192 = vector.broadcast %sqrt3A_191 : vector<1x512xf32> to vector<512x512xf32>
    %div3A_193 = arith.divf %sub3A_180, %div3A_192 : vector<512x512xf32>
    %get3A_194 = arith.constant 0 : index
    %get3A_195 = arith.constant 0 : index
    %get3A_196 = vector.load %arg15[%get3A_194, %get3A_195] : memref<1x512xf32, #tpu.memory_space<vmem>>, vector<1x512xf32>
    %mul3A_197 = vector.broadcast %get3A_196 : vector<1x512xf32> to vector<512x512xf32>
    %mul3A_198 = arith.mulf %div3A_193, %mul3A_197 : vector<512x512xf32>
    %get3A_199 = arith.constant 0 : index
    %get3A_200 = arith.constant 0 : index
    %get3A_201 = vector.load %arg16[%get3A_199, %get3A_200] : memref<1x512xf32, #tpu.memory_space<vmem>>, vector<1x512xf32>
    %add3A_202 = vector.broadcast %get3A_201 : vector<1x512xf32> to vector<512x512xf32>
    %add3A_203 = arith.addf %mul3A_198, %add3A_202 : vector<512x512xf32>
    %abs3A_204 = math.absf %add3A_203 : vector<512x512xf32>
    %get3A_205 = arith.constant 0 : index
    %get3A_206 = arith.constant 0 : index
    %get3A_207 = vector.load %arg17[%get3A_205, %get3A_206] : memref<512x512xf32, #tpu.memory_space<vmem>>, vector<512x512xf32>
    %convert_element_type3A_208 = arith.truncf %abs3A_204 : vector<512x512xf32> to vector<512x512xbf16>
    %convert_element_type3A_209 = arith.truncf %get3A_207 : vector<512x512xf32> to vector<512x512xbf16>
    %dot_general3A_210 = arith.constant dense<0.000000e+00> : vector<512x512xf32>
    %dot_general3A_211 = tpu.matmul %convert_element_type3A_208, %convert_element_type3A_209, %dot_general3A_210 {dimension_numbers = #tpu.dot_dimension_numbers<[1], [0], [0], [1], [0, 0, 1, 1], [], []>, transpose_lhs_hint = false} : vector<512x512xbf16>, vector<512x512xbf16>, vector<512x512xf32> -> vector<512x512xf32>
    %dot_general3A_212 = arith.constant dense<0.000000e+00> : vector<512x512xf32>
    %dot_general3A_213 = tpu.matmul %add3A_24, %dot_general3A_211, %dot_general3A_212 {dimension_numbers = #tpu.dot_dimension_numbers<[1], [0], [0], [1], [0, 0, 1, 1], [], []>, precision = #tpu.contract_precision<fp32>, transpose_lhs_hint = false} : vector<512x512xf32>, vector<512x512xf32>, vector<512x512xf32> -> vector<512x512xf32>
    %get3A_214 = arith.constant 0 : index
    %get3A_215 = arith.constant 0 : index
    %get3A_216 = vector.load %arg18[%get3A_214, %get3A_215] : memref<1x512xf32, #tpu.memory_space<vmem>>, vector<1x512xf32>
    %add3A_217 = vector.broadcast %get3A_216 : vector<1x512xf32> to vector<512x512xf32>
    %add3A_218 = arith.addf %dot_general3A_213, %add3A_217 : vector<512x512xf32>
    %reduce_sum3A_219 = arith.constant dense<0.000000e+00> : vector<512xf32>
    %reduce_sum3A_220 = vector.multi_reduction <add>, %add3A_218, %reduce_sum3A_219 [0] : vector<512x512xf32> to vector<512xf32>
    %broadcast_in_dim3A_221 = vector.shape_cast %reduce_sum3A_220 : vector<512xf32> to vector<1x512xf32>
    %div3A_222 = arith.constant 5.120000e+02 : f32
    %div3A_223 = vector.broadcast %div3A_222 : f32 to vector<1x512xf32>
    %div3A_224 = arith.divf %broadcast_in_dim3A_221, %div3A_223 : vector<1x512xf32>
    %sub3A_225 = vector.broadcast %div3A_224 : vector<1x512xf32> to vector<512x512xf32>
    %sub3A_226 = arith.subf %add3A_218, %sub3A_225 : vector<512x512xf32>
    %mul3A_227 = arith.mulf %sub3A_226, %sub3A_226 : vector<512x512xf32>
    %reduce_sum3A_228 = arith.constant dense<0.000000e+00> : vector<512xf32>
    %reduce_sum3A_229 = vector.multi_reduction <add>, %mul3A_227, %reduce_sum3A_228 [0] : vector<512x512xf32> to vector<512xf32>
    %broadcast_in_dim3A_230 = vector.shape_cast %reduce_sum3A_229 : vector<512xf32> to vector<1x512xf32>
    %div3A_231 = arith.constant 5.120000e+02 : f32
    %div3A_232 = vector.broadcast %div3A_231 : f32 to vector<1x512xf32>
    %div3A_233 = arith.divf %broadcast_in_dim3A_230, %div3A_232 : vector<1x512xf32>
    %add3A_234 = arith.constant 9.99999974E-6 : f32
    %add3A_235 = vector.broadcast %add3A_234 : f32 to vector<1x512xf32>
    %add3A_236 = arith.addf %div3A_233, %add3A_235 : vector<1x512xf32>
    %sqrt3A_237 = math.sqrt %add3A_236 : vector<1x512xf32>
    %div3A_238 = vector.broadcast %sqrt3A_237 : vector<1x512xf32> to vector<512x512xf32>
    %div3A_239 = arith.divf %sub3A_226, %div3A_238 : vector<512x512xf32>
    %get3A_240 = arith.constant 0 : index
    %get3A_241 = arith.constant 0 : index
    %get3A_242 = vector.load %arg19[%get3A_240, %get3A_241] : memref<1x512xf32, #tpu.memory_space<vmem>>, vector<1x512xf32>
    %mul3A_243 = vector.broadcast %get3A_242 : vector<1x512xf32> to vector<512x512xf32>
    %mul3A_244 = arith.mulf %div3A_239, %mul3A_243 : vector<512x512xf32>
    %get3A_245 = arith.constant 0 : index
    %get3A_246 = arith.constant 0 : index
    %get3A_247 = vector.load %arg20[%get3A_245, %get3A_246] : memref<1x512xf32, #tpu.memory_space<vmem>>, vector<1x512xf32>
    %add3A_248 = vector.broadcast %get3A_247 : vector<1x512xf32> to vector<512x512xf32>
    %add3A_249 = arith.addf %mul3A_244, %add3A_248 : vector<512x512xf32>
    %max3A_250 = arith.constant 0.000000e+00 : f32
    %max3A_251 = vector.broadcast %max3A_250 : f32 to vector<512x512xf32>
    %max3A_252 = arith.maximumf %add3A_249, %max3A_251 : vector<512x512xf32>
    %convert_element_type3A_253 = arith.truncf %max3A_252 : vector<512x512xf32> to vector<512x512xbf16>
    %convert_element_type3A_254 = arith.extf %convert_element_type3A_253 : vector<512x512xbf16> to vector<512x512xf32>
    %get3A_255 = arith.constant 0 : index
    %get3A_256 = arith.constant 0 : index
    %get3A_257 = vector.load %arg21[%get3A_255, %get3A_256] : memref<1x512xf32, #tpu.memory_space<vmem>>, vector<1x512xf32>
    %convert_element_type3A_258 = arith.truncf %get3A_257 : vector<1x512xf32> to vector<1x512xbf16>
    %convert_element_type3A_259 = arith.extf %convert_element_type3A_258 : vector<1x512xbf16> to vector<1x512xf32>
    %mul3A_260 = vector.broadcast %convert_element_type3A_259 : vector<1x512xf32> to vector<512x512xf32>
    %mul3A_261 = arith.mulf %convert_element_type3A_254, %mul3A_260 : vector<512x512xf32>
    %reduce_sum3A_262 = arith.constant dense<0.000000e+00> : vector<512xf32>
    %reduce_sum3A_263 = vector.multi_reduction <add>, %mul3A_261, %reduce_sum3A_262 [1] : vector<512x512xf32> to vector<512xf32>
    %broadcast_in_dim3A_264 = vector.shape_cast %reduce_sum3A_263 : vector<512xf32> to vector<512x1xf32>
    %reduce_max3A_265 = arith.constant dense<0xFF800000> : vector<1xf32>
    %reduce_max3A_266 = vector.multi_reduction <maximumf>, %broadcast_in_dim3A_264, %reduce_max3A_265 [0] : vector<512x1xf32> to vector<1xf32>
    %broadcast_in_dim3A_267 = vector.shape_cast %reduce_max3A_266 : vector<1xf32> to vector<1x1xf32>
    %sub3A_268 = vector.broadcast %broadcast_in_dim3A_267 : vector<1x1xf32> to vector<512x1xf32>
    %sub3A_269 = arith.subf %broadcast_in_dim3A_264, %sub3A_268 : vector<512x1xf32>
    %exp3A_270 = math.exp %sub3A_269 : vector<512x1xf32>
    %reduce_sum3A_271 = arith.constant dense<0.000000e+00> : vector<1xf32>
    %reduce_sum3A_272 = vector.multi_reduction <add>, %exp3A_270, %reduce_sum3A_271 [0] : vector<512x1xf32> to vector<1xf32>
    %broadcast_in_dim3A_273 = vector.shape_cast %reduce_sum3A_272 : vector<1xf32> to vector<1x1xf32>
    %div3A_274 = vector.broadcast %broadcast_in_dim3A_273 : vector<1x1xf32> to vector<512x1xf32>
    %div3A_275 = arith.divf %exp3A_270, %div3A_274 : vector<512x1xf32>
    %reduce_sum3A_276 = arith.constant dense<0.000000e+00> : vector<512xf32>
    %reduce_sum3A_277 = vector.multi_reduction <add>, %max3A_252, %reduce_sum3A_276 [1] : vector<512x512xf32> to vector<512xf32>
    %broadcast_in_dim3A_278 = vector.shape_cast %reduce_sum3A_277 : vector<512xf32> to vector<512x1xf32>
    %mul3A_279 = arith.mulf %div3A_275, %broadcast_in_dim3A_278 : vector<512x1xf32>
    %convert_element_type3A_280 = arith.truncf %mul3A_143 : vector<512x1xf32> to vector<512x1xbf16>
    %convert_element_type3A_281 = arith.extf %convert_element_type3A_280 : vector<512x1xbf16> to vector<512x1xf32>
    %get3A_282 = arith.constant 0 : index
    %get3A_283 = arith.constant 0 : index
    %get3A_284 = vector.load %arg22[%get3A_282, %get3A_283] : memref<512x128xf32, #tpu.memory_space<vmem>>, vector<512x128xf32>
    %convert_element_type3A_285 = arith.truncf %get3A_284 : vector<512x128xf32> to vector<512x128xbf16>
    %convert_element_type3A_286 = arith.extf %convert_element_type3A_285 : vector<512x128xbf16> to vector<512x128xf32>
    %mul3A_287 = vector.broadcast %convert_element_type3A_281 : vector<512x1xf32> to vector<512x128xf32>
    %mul3A_288 = arith.mulf %convert_element_type3A_286, %mul3A_287 : vector<512x128xf32>
    %reduce_sum3A_289 = arith.constant dense<0.000000e+00> : vector<128xf32>
    %reduce_sum3A_290 = vector.multi_reduction <add>, %mul3A_288, %reduce_sum3A_289 [0] : vector<512x128xf32> to vector<128xf32>
    %broadcast_in_dim3A_291 = vector.shape_cast %reduce_sum3A_290 : vector<128xf32> to vector<1x128xf32>
    %get3A_292 = arith.constant 0 : index
    %get3A_293 = arith.constant 0 : index
    %get3A_294 = vector.load %arg23[%get3A_292, %get3A_293] : memref<1x128xf32, #tpu.memory_space<vmem>>, vector<1x128xf32>
    %add3A_295 = arith.addf %broadcast_in_dim3A_291, %get3A_294 : vector<1x128xf32>
    %get3A_296 = arith.constant 0 : index
    %get3A_297 = arith.constant 0 : index
    %get3A_298 = vector.load %arg24[%get3A_296, %get3A_297] : memref<512x128xf32, #tpu.memory_space<vmem>>, vector<512x128xf32>
    %convert_element_type3A_299 = arith.truncf %get3A_298 : vector<512x128xf32> to vector<512x128xbf16>
    %convert_element_type3A_300 = arith.extf %convert_element_type3A_299 : vector<512x128xbf16> to vector<512x128xf32>
    %mul3A_301 = vector.broadcast %convert_element_type3A_281 : vector<512x1xf32> to vector<512x128xf32>
    %mul3A_302 = arith.mulf %convert_element_type3A_300, %mul3A_301 : vector<512x128xf32>
    %reduce_sum3A_303 = arith.constant dense<0.000000e+00> : vector<128xf32>
    %reduce_sum3A_304 = vector.multi_reduction <add>, %mul3A_302, %reduce_sum3A_303 [0] : vector<512x128xf32> to vector<128xf32>
    %broadcast_in_dim3A_305 = vector.shape_cast %reduce_sum3A_304 : vector<128xf32> to vector<1x128xf32>
    %get3A_306 = arith.constant 0 : index
    %get3A_307 = arith.constant 0 : index
    %get3A_308 = vector.load %arg25[%get3A_306, %get3A_307] : memref<1x128xf32, #tpu.memory_space<vmem>>, vector<1x128xf32>
    %add3A_309 = arith.addf %broadcast_in_dim3A_305, %get3A_308 : vector<1x128xf32>
    %mul3A_310 = arith.constant 5.000000e-01 : f32
    %mul3A_311 = vector.broadcast %mul3A_310 : f32 to vector<1x128xf32>
    %mul3A_312 = arith.mulf %mul3A_311, %add3A_309 : vector<1x128xf32>
    %exp3A_313 = math.exp %mul3A_312 : vector<1x128xf32>
    %get3A_314 = arith.constant 0 : index
    %get3A_315 = arith.constant 0 : index
    %get3A_316 = vector.load %arg30[%get3A_314, %get3A_315] : memref<1x128xf32, #tpu.memory_space<vmem>>, vector<1x128xf32>
    %mul3A_317 = arith.mulf %exp3A_313, %get3A_316 : vector<1x128xf32>
    %add3A_318 = arith.addf %add3A_295, %mul3A_317 : vector<1x128xf32>
    %convert_element_type3A_319 = arith.truncf %mul3A_279 : vector<512x1xf32> to vector<512x1xbf16>
    %convert_element_type3A_320 = arith.extf %convert_element_type3A_319 : vector<512x1xbf16> to vector<512x1xf32>
    %get3A_321 = arith.constant 0 : index
    %get3A_322 = arith.constant 0 : index
    %get3A_323 = vector.load %arg26[%get3A_321, %get3A_322] : memref<512x128xf32, #tpu.memory_space<vmem>>, vector<512x128xf32>
    %convert_element_type3A_324 = arith.truncf %get3A_323 : vector<512x128xf32> to vector<512x128xbf16>
    %convert_element_type3A_325 = arith.extf %convert_element_type3A_324 : vector<512x128xbf16> to vector<512x128xf32>
    %mul3A_326 = vector.broadcast %convert_element_type3A_320 : vector<512x1xf32> to vector<512x128xf32>
    %mul3A_327 = arith.mulf %convert_element_type3A_325, %mul3A_326 : vector<512x128xf32>
    %reduce_sum3A_328 = arith.constant dense<0.000000e+00> : vector<128xf32>
    %reduce_sum3A_329 = vector.multi_reduction <add>, %mul3A_327, %reduce_sum3A_328 [0] : vector<512x128xf32> to vector<128xf32>
    %broadcast_in_dim3A_330 = vector.shape_cast %reduce_sum3A_329 : vector<128xf32> to vector<1x128xf32>
    %get3A_331 = arith.constant 0 : index
    %get3A_332 = arith.constant 0 : index
    %get3A_333 = vector.load %arg27[%get3A_331, %get3A_332] : memref<1x128xf32, #tpu.memory_space<vmem>>, vector<1x128xf32>
    %add3A_334 = arith.addf %broadcast_in_dim3A_330, %get3A_333 : vector<1x128xf32>
    %get3A_335 = arith.constant 0 : index
    %get3A_336 = arith.constant 0 : index
    %get3A_337 = vector.load %arg28[%get3A_335, %get3A_336] : memref<512x128xf32, #tpu.memory_space<vmem>>, vector<512x128xf32>
    %convert_element_type3A_338 = arith.truncf %get3A_337 : vector<512x128xf32> to vector<512x128xbf16>
    %convert_element_type3A_339 = arith.extf %convert_element_type3A_338 : vector<512x128xbf16> to vector<512x128xf32>
    %mul3A_340 = vector.broadcast %convert_element_type3A_320 : vector<512x1xf32> to vector<512x128xf32>
    %mul3A_341 = arith.mulf %convert_element_type3A_339, %mul3A_340 : vector<512x128xf32>
    %reduce_sum3A_342 = arith.constant dense<0.000000e+00> : vector<128xf32>
    %reduce_sum3A_343 = vector.multi_reduction <add>, %mul3A_341, %reduce_sum3A_342 [0] : vector<512x128xf32> to vector<128xf32>
    %broadcast_in_dim3A_344 = vector.shape_cast %reduce_sum3A_343 : vector<128xf32> to vector<1x128xf32>
    %get3A_345 = arith.constant 0 : index
    %get3A_346 = arith.constant 0 : index
    %get3A_347 = vector.load %arg29[%get3A_345, %get3A_346] : memref<1x128xf32, #tpu.memory_space<vmem>>, vector<1x128xf32>
    %add3A_348 = arith.addf %broadcast_in_dim3A_344, %get3A_347 : vector<1x128xf32>
    %mul3A_349 = arith.constant 5.000000e-01 : f32
    %mul3A_350 = vector.broadcast %mul3A_349 : f32 to vector<1x128xf32>
    %mul3A_351 = arith.mulf %mul3A_350, %add3A_348 : vector<1x128xf32>
    %exp3A_352 = math.exp %mul3A_351 : vector<1x128xf32>
    %get3A_353 = arith.constant 0 : index
    %get3A_354 = arith.constant 0 : index
    %get3A_355 = vector.load %arg31[%get3A_353, %get3A_354] : memref<1x128xf32, #tpu.memory_space<vmem>>, vector<1x128xf32>
    %mul3A_356 = arith.mulf %exp3A_352, %get3A_355 : vector<1x128xf32>
    %add3A_357 = arith.addf %add3A_334, %mul3A_356 : vector<1x128xf32>
    %concatenate3A = tpu.concatenate %add3A_318, %add3A_357 in 1 : vector<1x128xf32>, vector<1x128xf32> -> vector<1x256xf32>
    %get3A_358 = arith.constant 0 : index
    %get3A_359 = arith.constant 0 : index
    %get3A_360 = vector.load %arg32[%get3A_358, %get3A_359] : memref<256x512xf32, #tpu.memory_space<vmem>>, vector<256x512xf32>
    %convert_element_type3A_361 = arith.truncf %concatenate3A : vector<1x256xf32> to vector<1x256xbf16>
    %convert_element_type3A_362 = arith.truncf %get3A_360 : vector<256x512xf32> to vector<256x512xbf16>
    %dot_general3A_363 = arith.constant dense<0.000000e+00> : vector<1x512xf32>
    %dot_general3A_364 = tpu.matmul %convert_element_type3A_361, %convert_element_type3A_362, %dot_general3A_363 {dimension_numbers = #tpu.dot_dimension_numbers<[1], [0], [0], [1], [0, 0, 1, 1], [], []>, transpose_lhs_hint = false} : vector<1x256xbf16>, vector<256x512xbf16>, vector<1x512xf32> -> vector<1x512xf32>
    %get3A_365 = arith.constant 0 : index
    %get3A_366 = arith.constant 0 : index
    %get3A_367 = vector.load %arg33[%get3A_365, %get3A_366] : memref<1x512xf32, #tpu.memory_space<vmem>>, vector<1x512xf32>
    %add3A_368 = arith.addf %dot_general3A_364, %get3A_367 : vector<1x512xf32>
    %swap3A = arith.constant 0 : index
    %swap3A_369 = arith.constant 0 : index
    %swap3A_370 = vector.load %arg34[%swap3A, %swap3A_369] : memref<1x512xf32, #tpu.memory_space<vmem>>, vector<1x512xf32>
    tpu.vector_store %arg34[%swap3A, %swap3A_369], %add3A_368 {strides = array<i32>} : memref<1x512xf32, #tpu.memory_space<vmem>>, vector<1x512xf32>,
    return
  }
}

</mosaic_0001>

<sc_bundles>
// kernel: kernel.5.cloned.1.call-start
scs
__scs_entry_jumppad:
0x0: {  	(pc) =	sbr.rel $0x88, $3  }
0x1: {  	(tag) =	ssettag $0x0;
	lr =	simm.s32 $0x1  }
0x2: {  	[smem:$0x3F81] =	sst lr;
	_ =	strace $0xD0000000  }
0x3: {  	_ = 	snop  }
0x4: {  	_ = 	snop  }
0x5: {  	_ = 	snop  }
0x6: {  	_ = 	snop  }
0x7: {  	_ = 	snop  }
__scs_overlays_trampoline_lowered:
0x8: {  	[smem:$0x3F90] =	sst s0  }
0x9: {  	[smem:$0x3F91] =	sst s1  }
0xa: {  	[smem:$0x3F92] =	sst s2  }
0xb: {  	[smem:$0x3F93] =	sst s3  }
0xc: {  	[smem:$0x3F94] =	sst s4  }
0xd: {  	[smem:$0x3F95] =	sst s5  }
0xe: {  	[smem:$0x3F96] =	sst s6  }
0xf: {  	[smem:$0x3F97] =	sst s7  }
0x10: {  	[smem:$0x3F98] =	sst s8  }
0x11: {  	[smem:$0x3F99] =	sst s9;
	s0 =	simm.s32 @!p0 $0x0  }
0x12: {  	s1 =	sld [smem:$0x3F7F];
	s0 =	simm.s32 @p0 $0x1  }
0x13: {  	[smem:$0x3F9A] =	sst s0;
	s0 =	simm.s32 @!p1 $0x0  }
0x14: {  	s2 =	sld [smem:$0x3F7E];
	s0 =	simm.s32 @p1 $0x1  }
0x15: {  	[smem:$0x3F9B] =	sst s0;
	s0 =	simm.s32 @!p2 $0x0  }
0x16: {  	s3 =	sld [smem:$0x3FDB];
	s0 =	simm.s32 @p2 $0x1  }
0x17: {  	s4 =	simm.s32 $0x1BF5;
	[smem:$0x3F9D] =	sst s0  }
0x18: {  	s0 =	sld [smem:$0x3F80];
	_ =	swait.ge [sflag:s4], $0x0  }
0x19: {  	s7 =	sld [smem:$0x3F81]  }
0x1a: {  	s8 =	sadd.s32 $0xFFFFE003, lr  }
0x1b: {  	s9 =	sadd.s32 $0xFFFFFEF7, lr;
	s5 =	simm.s32 $0xFFFFFFFF;
	p2 =	slt.u32 s8, $0xFFFFF086  }
0x1c: {  	p1 =	slt.u32 s9, $0xF7A;
	s5 =	simm.s32 @!p2 $0x0  }
0x1d: {  	s5 =	simm.s32 @p1 $0x1;
	p0 =	seq.s32 s7, s2  }
0x1e: {  	s7 =	smul.u32 @!p0 $0xF7A, s2;
	p2 =	seq.s32 @!p0 s5, $0x0  }
0x1f: {  	s9 =	smul.u32 $0xF7A, s1;
	s8 =	simm.s32 @!p0 $0x1BF5;
	p2 =	por !p2, p0  }
0x20: {  	[sflag:s8] =	ssyncset.s32 @!p0 $0xFFFFF086;
	s6 =	sadd.s32 @!p0 s3, s7;
	s7 =	simm.s32 @!p0 $0x108  }
0x21: {  	s3 =	sadd.s32 s3, s9;
	s6 =	sadd.s32 @!p0 $0x88, s6;
	s7 =	simm.s32 @p2 $0x1082  }
0x22: {  	[simem:s7], [sflag:s8] =	dma.local @!p0 [hbm:s6], $0xF7A  }
0x23: {  	s9 =	sor.u32 $0xD0000000, s2;
	s6 =	simm.s32 $0x108;
	_ =	swait.ge @!p0 [sflag:s8], $0x0  }
0x24: {  	s3 =	sadd.s32 $0x88, s3;
	s6 =	simm.s32 @!p1 $0x1082;
	[sflag:s4] =	ssyncset.s32 $0xFFFFF086  }
0x25: {  	[simem:s6], [sflag:s4] =	dma.local [hbm:s3], $0xF7A  }
0x26: {  	[smem:$0x3F81] =	sst s1;
	(tag) =	ssettag s2;
	_ =	strace s9  }
0x27: {  	s1 =	sld [smem:$0x3F91]  }
0x28: {  	s2 =	sld [smem:$0x3F92]  }
0x29: {  	s4 =	sld [smem:$0x3F94]  }
0x2a: {  	p0 =	seq.s32 s5, $0x0;
	s5 =	sld [smem:$0x3F95]  }
0x2b: {  	s6 =	sld [smem:$0x3F96]  }
0x2c: {  	s7 =	sld [smem:$0x3F97]  }
0x2d: {  	s3 =	simm.s32 $0x108;
	s8 =	sld [smem:$0x3F98]  }
0x2e: {  	s3 =	simm.s32 @!p0 $0x1082;
	s9 =	sld [smem:$0x3F99]  }
0x2f: {  	lr =	sadd.s32 s0, s3;
	s0 =	sld [smem:$0x3F90]  }
0x30: {  	s3 =	sld [smem:$0x3F93]  }
0x31: {  	[smem:$0x3F9C] =	sst s10  }
0x32: {  	s10 =	sld [smem:$0x3F9A];
	_ =	sdelay $0x3  }
0x33: {  	p0 =	seq.s32 s10, $0x1;
	s10 =	sld [smem:$0x3F9C];
	_ =	sdelay $0x3  }
0x34: {  	[smem:$0x3F9C] =	sst s10  }
0x35: {  	s10 =	sld [smem:$0x3F9B];
	_ =	sdelay $0x3  }
0x36: {  	p1 =	seq.s32 s10, $0x1;
	s10 =	sld [smem:$0x3F9C];
	_ =	sdelay $0x3  }
0x37: {  	[smem:$0x3F9C] =	sst s10  }
0x38: {  	s10 =	sld [smem:$0x3F9D]  }
0x39: {  	_ = 	snop;
	(pc) =	sbr.ind lr, $3  }
0x3a: {  	_ = 	snop  }
0x3b: {  	_ = 	snop  }
0x3c: {  	p2 =	seq.s32 s10, $0x1;
	s10 =	sld [smem:$0x3F9C]  }
0x3d: {  	_ =	shalt  }
0x3e: {  	_ =	shalt  }
0x3f: {  	_ =	shalt  }
0x40: {  	_ =	shalt  }
0x41: {  	_ =	shalt  }
0x42: {  	_ =	shalt  }
0x43: {  	_ =	shalt  }
0x44: {  	_ =	shalt  }
0x45: {  	_ =	shalt  }
0x46: {  	_ =	shalt  }
0x47: {  	_ =	shalt  }
0x48: {  	_ =	shalt  }
0x49: {  	_ =	shalt  }
0x4a: {  	_ =	shalt  }
0x4b: {  	_ =	shalt  }
0x4c: {  	_ =	shalt  }
0x4d: {  	_ =	shalt  }
0x4e: {  	_ =	shalt  }
0x4f: {  	_ =	shalt  }
0x50: {  	_ =	shalt  }
0x51: {  	_ =	shalt  }
0x52: {  	_ =	shalt  }
0x53: {  	_ =	shalt  }
0x54: {  	_ =	shalt  }
0x55: {  	_ =	shalt  }
0x56: {  	_ =	shalt  }
0x57: {  	_ =	shalt  }
0x58: {  	_ =	shalt  }
0x59: {  	_ =	shalt  }
0x5a: {  	_ =	shalt  }
0x5b: {  	_ =	shalt  }
0x5c: {  	_ =	shalt  }
0x5d: {  	_ =	shalt  }
0x5e: {  	_ =	shalt  }
0x5f: {  	_ =	shalt  }
0x60: {  	_ =	shalt  }
0x61: {  	_ =	shalt  }
0x62: {  	_ =	shalt  }
0x63: {  	_ =	shalt  }
0x64: {  	_ =	shalt  }
0x65: {  	_ =	shalt  }
0x66: {  	_ =	shalt  }
0x67: {  	_ =	shalt  }
0x68: {  	_ =	shalt  }
0x69: {  	_ =	shalt  }
0x6a: {  	_ =	shalt  }
0x6b: {  	_ =	shalt  }
0x6c: {  	_ =	shalt  }
0x6d: {  	_ =	shalt  }
0x6e: {  	_ =	shalt  }
0x6f: {  	_ =	shalt  }
0x70: {  	_ =	shalt  }
0x71: {  	_ =	shalt  }
0x72: {  	_ =	shalt  }
0x73: {  	_ =	shalt  }
0x74: {  	_ =	shalt  }
0x75: {  	_ =	shalt  }
0x76: {  	_ =	shalt  }
0x77: {  	_ =	shalt  }
0x78: {  	_ =	shalt  }
0x79: {  	_ =	shalt  }
0x7a: {  	_ =	shalt  }
0x7b: {  	_ =	shalt  }
0x7c: {  	_ =	shalt  }
0x7d: {  	_ =	shalt  }
0x7e: {  	_ =	shalt  }
0x7f: {  	_ =	shalt  }
0x80: {  	_ =	shalt  }
0x81: {  	_ =	shalt  }
0x82: {  	_ =	shalt  }
0x83: {  	_ =	shalt  }
0x84: {  	_ =	shalt  }
0x85: {  	_ =	shalt  }
0x86: {  	_ =	shalt  }
0x87: {  	_ =	shalt  }
.Lfunc_end0:
.L_simem_size_0:
called_computation_lowered:
.L_overlay_start_0:
0x88: {  	s2 =	sld [smem:$0x3FD9]  }
0x89: {  	s3 =	sld [smem:$0x3FFE];
	_ =	sdelay $0x1  }
0x8a: {  	s1 =	srdreg.scid  }
0x8b: {  	s0 =	sand.u32 $0x1, s1  }
0x8c: {  	s17 =	sshll.u32 s0, $0xA;
	s2 =	sadd.s32 s3, s2  }
0x8d: {  	s2 =	sadd.s32 s2, s17  }
0x8e: {  	[smem:$0x3FA8] =	sst s2  }
0x8f: {  	_ = 	snop  }
0x90: {  	s2 =	sld [smem:$0x3FD0];
	(tm) =	ssettm $0x1  }
0x91: {  	s18 =	sld [smem:$0x3FFB];
	_ =	sdelay $0x3  }
0x92: {  	_ =	strace s18  }
0x93: {  	s3 =	sld [smem:$0x3FFC];
	_ =	sdelay $0x3  }
0x94: {  	_ =	strace s3  }
0x95: {  	s3 =	sld [smem:$0x3FFD];
	_ =	sdelay $0x3  }
0x96: {  	_ =	strace s3  }
0x97: {  	_ =	strace $0x8FFFFFFF  }
0x98: {  	s19 =	sld [smem:$0x3FDB];
	_ =	sdelay $0x1  }
0x99: {  	s4 =	simm.s32 $_scs_section_size  }
0x9a: {  	s5 =	simm.s32 $_size__tile_overlayer_lowered;
	s6 =	simm.s32 $_tile_overlayer_lowered  }
0x9b: {  	s22 =	simm.s32 $0x1BFF;
	s21 =	sshll.u32 s6, $0x1;
	s3 =	sadd.s32 s4, s19  }
0x9c: {  	s7 =	simm.s32 $0x0;
	s20 =	sshll.u32 s5, $0x1;
	s5 =	sadd.s32 s21, s3  }
0x9d: {  	[timem:s7], [sflag:s22] =	dma.local [hbm:s5], s20  }
0x9e: {  	_ =	swait.ge [sflag:s22], s20  }
0x9f: {  	s4 =	ssub.s32 $0x0, s20;
	[sflag:s22] =	ssyncset.done $0x0  }
0xa0: {  	[sflag:s22] =	ssyncadd.s32 s4;
	_ =	sdelay $0x1  }
0xa1: {  	s23 =	simm.s32 $0x1B8B  }
0xa2: {  	_ =	swait.ge [sflag:s23], $0x1  }
0xa3: {  	[sflag:s23] =	ssyncset.done $0x0  }
0xa4: {  	s25 =	simm.s32 $0x1B8E;
	s24 =	sld [smem:$0x3FFE];
	[sflag:s23] =	ssyncadd.s32 $0xFFFFFFFF  }
0xa5: {  	s26 =	simm.s32 $execute0_lowered;
	[smem:$0x3FD2] =	sst s25  }
0xa6: {  	s5 =	sshll.u32 s26, $0x1;
	_ =	strace $0x80000046;
	[dreg:$0x1] =	wrdreg $0xFFFFFFFF  }
0xa7: {  	s28 =	simm.s32 $_size_execute0_lowered;
	s3 =	sadd.s32 s3, s5;
	[dreg:$0x0] =	wrdreg $0x0  }
0xa8: {  	s5 =	sshll.u32 s28, $0x1;
	[dreg:$0x2] =	wrdreg s3  }
0xa9: {  	[dreg:$0x3] =	wrdreg s5  }
0xaa: {  	[dreg:$0x4] =	wrdreg $0xC0  }
0xab: {  	_ =	task [dreg:s7], $0x5FFFF  }
0xac: {  	[dreg:$0x1] =	wrdreg $0xFFFFFFFF  }
0xad: {  	[dreg:$0x0] =	wrdreg $0x60  }
0xae: {  	[dreg:$0x2] =	wrdreg s2  }
0xaf: {  	[dreg:$0x3] =	wrdreg s24  }
0xb0: {  	[dreg:$0x4] =	wrdreg $0x5000  }
0xb1: {  	[dreg:$0x5] =	wrdreg $0x9  }
0xb2: {  	_ =	task.clear_ibuf [dreg:s7], $0x6FFFF;
	_ =	strace $0x90000046  }
0xb3: {  	s29 =	simm.s32 $0x9;
	_ =	strace $0x80000048  }
0xb4: {  	_ =	swait.ge [sflag:s29], $0x1  }
0xb5: {  	[sflag:s29] =	ssyncadd.s32 $0xFFFFFFFF  }
0xb6: {  	_ =	strace $0x90000048  }
0xb7: {  	_ =	sfence  }
0xb8: {  	s30 =	sld [smem:$0x0];
	_ =	sdelay $0x2  }
0xb9: {  	s31 =	sshll.u32 s1, $0xD;
	s1 =	sshrl.u32 s1, $0x2  }
0xba: {  	s3 =	sand.u32 $0x4000, s31;
	s1 =	sadd.s32 s1, s30  }
0xbb: {  	s0 =	sor.u32 s3, s0;
	s1 =	sshll.u32 s1, $0x11  }
0xbc: {  	s0 =	sor.u32 s1, s0  }
0xbd: {  	s0 =	sadd.s32 $0x8F2B, s0  }
0xbe: {  	[sflag:s0] =	ssyncadd.remote.s32 $0x1  }
0xbf: {  	_ =	sfence.sel $0xFFFF  }
0xc0: {  	[dreg:$0x0] =	wrdreg $0xFFFFFFFF;
	(pc) =	sbr.abs _section_cstart, $3  }
0xc1: {  	[dreg:$0x1] =	wrdreg $0xFFFFFFFF  }
0xc2: {  	_ =	task.clear_ibuf [dreg:s7], $0x2FFFF;
	_ =	strace $0x9FFFFFFF  }
0xc3: {  	(tm) =	ssettm $0x7FFFFFFF  }
tec
execute0_lowered:
.L_overlay_start_1:
0x0: {  	(tag) =	ssettag $0x1  }
0x1: {  	s5 =	rddreg [dreg:$0x0]  }
0x2: {  	s3 =	rddreg [dreg:$0x1]  }
0x3: {  	s1 =	rddreg [dreg:$0x2]  }
0x4: {  	s0 =	rddreg [dreg:$0x3];
	s2 =	simm.s32 $0x0;
	s4 =	srdreg.scid  }
0x5: {  	s12 =	simm.s32 $0x200;
	s13 =	simm.s32 $0x80;
	s14 =	simm.s32 $0x400  }
0x6: {  	s15 =	simm.s32 $0x480;
	s16 =	simm.s32 $0x20;
	s17 =	simm.s32 $0x10  }
0x7: {  	[smem:$0x7FF] =	sst s2;
	s6 =	sand.u32 $0x1, s4;
	s4 =	sadd.s32 $0x3E00, s3  }
0x8: {  	_ =	strace $0x80000047;
	s7 =	sshll.u32 s6, $0x4;
	s8 =	ssub.s32 $0x2, s6  }
0x9: {  	s7 =	sadd.s32 s7, s3;
	s3 =	stileid.u32;
	s9 =	sshrl.u32 s8, $0x1  }
0xa: {  	s6 =	sshll.u32 s6, $0xA;
	s9 =	ssub.s32 s8, s9;
	s31 =	sshll.u32 s3, $0x6  }
0xb: {  	s10 =	sshll.u32 s3, $0xC;
	s11 =	sshll.u32 s3, $0xE;
	s6 =	sor.u32 s31, s6  }
0xc: {  	s11 =	sadd.s32 s11, s1;
	s10 =	sadd.s32 s10, s7;
	s9 =	smax.u32 s9, $0x1  }
0xd: {  	s5 =	sadd.s32 s5, s6;
	s6 =	sor.u32 $0x1C01, s31;
	s8 =	sadd.s32 $0x4600, s10  }
0xe: {  	v0 =	vimm.f32 $1.000000000e+00;
	s10 =	sshrl.u32 s11, $0x3;
	s11 =	simm.s32 $0x1;
	s7 =	sadd.s32 $0x800, s5  }
.LBB2_1:
0xf: {  	[spmem:s10], [sflag:s6] =	dma.local [hbm:s4], $0x800  }
0x10: {  	_ =	swait.ge [sflag:s11], $0x800  }
0x11: {  	[sflag:s11] =	ssyncset.done $0x0  }
0x12: {  	[sflag:s11] =	ssyncadd.s32 $0xFFFFF800  }
0x13: {  	[tilespmem:$0x480] =	vst v0  }
0x14: {  	[tilespmem:$0x490] =	vst v0  }
0x15: {  	[tilespmem:$0x4A0] =	vst v0  }
0x16: {  	[tilespmem:$0x4B0] =	vst v0  }
0x17: {  	[tilespmem:$0x4C0] =	vst v0  }
0x18: {  	[tilespmem:$0x4D0] =	vst v0  }
0x19: {  	[tilespmem:$0x4E0] =	vst v0  }
0x1a: {  	[tilespmem:$0x4F0] =	vst v0  }
0x1b: {  	[bflag:$0x0] =	sbarrier.arrive $0xFFFF  }
0x1c: {  	[tilespmem:s2], [sflag:$0x1] =	stream.linear.gather [hbm4b:s5+s2], $0x200, $0x38;
	[tilespmem:$0x4500] =	vst v63  }
0x1d: {  	_ =	swait.ge [sflag:s11], $0x200  }
0x1e: {  	[sflag:s11] =	ssyncset.done $0x0  }
0x1f: {  	[sflag:s11] =	ssyncadd.s32 $0xFFFFFE00  }
0x20: {  	[tilespmem:s12], [sflag:$0x1] =	stream.linear.gather [hbm4b:s7+s2], $0x200, $0x38;
	[tilespmem:$0x4500] =	vst v63  }
0x21: {  	_ =	swait.ge [sflag:s11], $0x200  }
0x22: {  	[sflag:s11] =	ssyncset.done $0x0  }
0x23: {  	[sflag:s11] =	ssyncadd.s32 $0xFFFFFE00  }
0x24: {  	v1 =	vld [tilespmem:$0x200]  }
0x25: {  	v2 =	vld [tilespmem:$0x0]  }
0x26: {  	v3 =	vld [tilespmem:$0x210]  }
0x27: {  	v4 =	vld [tilespmem:$0x10]  }
0x28: {  	v5 =	vld [tilespmem:$0x220]  }
0x29: {  	v6 =	vld [tilespmem:$0x20]  }
0x2a: {  	v7 =	vld [tilespmem:$0x230]  }
0x2b: {  	v8 =	vld [tilespmem:$0x30]  }
0x2c: {  	v9 =	vld [tilespmem:$0x240]  }
0x2d: {  	v10 =	vld [tilespmem:$0x40]  }
0x2e: {  	v11 =	vld [tilespmem:$0x250]  }
0x2f: {  	v12 =	vld [tilespmem:$0x50]  }
0x30: {  	v13 =	vld [tilespmem:$0x260];
	v1 =	vshll.u32 v1, $0x9  }
0x31: {  	v26 =	vld [tilespmem:$0x270];
	v1 =	vadd.s32 v2, v1;
	v2 =	vshll.u32 v3, $0x9  }
0x32: {  	v3 =	vld [tilespmem:$0x60];
	[tilespmem:$0x400] =	vst v1;
	v1 =	vadd.s32 v4, v2;
	v2 =	vshll.u32 v5, $0x9  }
0x33: {  	v27 =	vld [tilespmem:$0x70];
	[tilespmem:$0x410] =	vst v1;
	v1 =	vadd.s32 v6, v2;
	v2 =	vshll.u32 v7, $0x9  }
0x34: {  	[tilespmem:$0x420] =	vst v1;
	v1 =	vadd.s32 v8, v2;
	v2 =	vshll.u32 v9, $0x9  }
0x35: {  	[tilespmem:$0x430] =	vst v1;
	v1 =	vadd.s32 v10, v2;
	v2 =	vshll.u32 v11, $0x9  }
0x36: {  	[tilespmem:$0x440] =	vst v1;
	v1 =	vadd.s32 v12, v2;
	v2 =	vshll.u32 v13, $0x9  }
0x37: {  	[tilespmem:$0x450] =	vst v1;
	v1 =	vadd.s32 v3, v2;
	v2 =	vshll.u32 v26, $0x9  }
0x38: {  	[tilespmem:$0x460] =	vst v1;
	v1 =	vadd.s32 v27, v2  }
0x39: {  	[tilespmem:$0x470] =	vst v1  }
0x3a: {  	[spmem:s1] =	stream.indirect.scatter.add.f32 [tilespmem:s15], [sflag:$0x1], $0x1, s14, s13, $0xb8;
	[tilespmem:$0x4500] =	vst v63  }
0x3b: {  	_ =	swait.ge [sflag:s11], $0x80  }
0x3c: {  	[sflag:s11] =	ssyncset.done $0x0  }
0x3d: {  	[sflag:s11] =	ssyncadd.s32 $0xFFFFFF80  }
0x3e: {  	v1 =	vld [tilespmem:$0x280]  }
0x3f: {  	v2 =	vld [tilespmem:$0x80]  }
0x40: {  	v3 =	vld [tilespmem:$0x290]  }
0x41: {  	v28 =	vld [tilespmem:$0x90]  }
0x42: {  	v29 =	vld [tilespmem:$0x2A0]  }
0x43: {  	v30 =	vld [tilespmem:$0xA0]  }
0x44: {  	v31 =	vld [tilespmem:$0x2B0]  }
0x45: {  	v32 =	vld [tilespmem:$0xB0]  }
0x46: {  	v33 =	vld [tilespmem:$0x2C0]  }
0x47: {  	v34 =	vld [tilespmem:$0xC0]  }
0x48: {  	v35 =	vld [tilespmem:$0x2D0]  }
0x49: {  	v36 =	vld [tilespmem:$0xD0]  }
0x4a: {  	v37 =	vld [tilespmem:$0x2E0];
	v1 =	vshll.u32 v1, $0x9  }
0x4b: {  	v38 =	vld [tilespmem:$0x2F0];
	v1 =	vadd.s32 v2, v1;
	v2 =	vshll.u32 v3, $0x9  }
0x4c: {  	v3 =	vld [tilespmem:$0xE0];
	[tilespmem:$0x400] =	vst v1;
	v1 =	vadd.s32 v28, v2;
	v2 =	vshll.u32 v29, $0x9  }
0x4d: {  	v39 =	vld [tilespmem:$0xF0];
	[tilespmem:$0x410] =	vst v1;
	v1 =	vadd.s32 v30, v2;
	v2 =	vshll.u32 v31, $0x9  }
0x4e: {  	[tilespmem:$0x420] =	vst v1;
	v1 =	vadd.s32 v32, v2;
	v2 =	vshll.u32 v33, $0x9  }
0x4f: {  	[tilespmem:$0x430] =	vst v1;
	v1 =	vadd.s32 v34, v2;
	v2 =	vshll.u32 v35, $0x9  }
0x50: {  	[tilespmem:$0x440] =	vst v1;
	v1 =	vadd.s32 v36, v2;
	v2 =	vshll.u32 v37, $0x9  }
0x51: {  	[tilespmem:$0x450] =	vst v1;
	v1 =	vadd.s32 v3, v2;
	v2 =	vshll.u32 v38, $0x9  }
0x52: {  	[tilespmem:$0x460] =	vst v1;
	v1 =	vadd.s32 v39, v2  }
0x53: {  	[tilespmem:$0x470] =	vst v1  }
0x54: {  	[spmem:s1] =	stream.indirect.scatter.add.f32 [tilespmem:s15], [sflag:$0x1], $0x1, s14, s13, $0xb8;
	[tilespmem:$0x4500] =	vst v63  }
0x55: {  	_ =	swait.ge [sflag:s11], $0x80  }
0x56: {  	[sflag:s11] =	ssyncset.done $0x0  }
0x57: {  	[sflag:s11] =	ssyncadd.s32 $0xFFFFFF80  }
0x58: {  	v1 =	vld [tilespmem:$0x300]  }
0x59: {  	v2 =	vld [tilespmem:$0x100]  }
0x5a: {  	v3 =	vld [tilespmem:$0x310]  }
0x5b: {  	v40 =	vld [tilespmem:$0x110]  }
0x5c: {  	v41 =	vld [tilespmem:$0x320]  }
0x5d: {  	v42 =	vld [tilespmem:$0x120]  }
0x5e: {  	v43 =	vld [tilespmem:$0x330]  }
0x5f: {  	v44 =	vld [tilespmem:$0x130]  }
0x60: {  	v45 =	vld [tilespmem:$0x340]  }
0x61: {  	v46 =	vld [tilespmem:$0x140]  }
0x62: {  	v47 =	vld [tilespmem:$0x350]  }
0x63: {  	v48 =	vld [tilespmem:$0x150]  }
0x64: {  	v49 =	vld [tilespmem:$0x360];
	v1 =	vshll.u32 v1, $0x9  }
0x65: {  	v50 =	vld [tilespmem:$0x370];
	v1 =	vadd.s32 v2, v1;
	v2 =	vshll.u32 v3, $0x9  }
0x66: {  	v3 =	vld [tilespmem:$0x160];
	[tilespmem:$0x400] =	vst v1;
	v1 =	vadd.s32 v40, v2;
	v2 =	vshll.u32 v41, $0x9  }
0x67: {  	v51 =	vld [tilespmem:$0x170];
	[tilespmem:$0x410] =	vst v1;
	v1 =	vadd.s32 v42, v2;
	v2 =	vshll.u32 v43, $0x9  }
0x68: {  	[tilespmem:$0x420] =	vst v1;
	v1 =	vadd.s32 v44, v2;
	v2 =	vshll.u32 v45, $0x9  }
0x69: {  	[tilespmem:$0x430] =	vst v1;
	v1 =	vadd.s32 v46, v2;
	v2 =	vshll.u32 v47, $0x9  }
0x6a: {  	[tilespmem:$0x440] =	vst v1;
	v1 =	vadd.s32 v48, v2;
	v2 =	vshll.u32 v49, $0x9  }
0x6b: {  	[tilespmem:$0x450] =	vst v1;
	v1 =	vadd.s32 v3, v2;
	v2 =	vshll.u32 v50, $0x9  }
0x6c: {  	[tilespmem:$0x460] =	vst v1;
	v1 =	vadd.s32 v51, v2  }
0x6d: {  	[tilespmem:$0x470] =	vst v1  }
0x6e: {  	[spmem:s1] =	stream.indirect.scatter.add.f32 [tilespmem:s15], [sflag:$0x1], $0x1, s14, s13, $0xb8;
	[tilespmem:$0x4500] =	vst v63  }
0x6f: {  	_ =	swait.ge [sflag:s11], $0x80  }
0x70: {  	[sflag:s11] =	ssyncset.done $0x0  }
0x71: {  	[sflag:s11] =	ssyncadd.s32 $0xFFFFFF80  }
0x72: {  	v1 =	vld [tilespmem:$0x380]  }
0x73: {  	v2 =	vld [tilespmem:$0x180]  }
0x74: {  	v3 =	vld [tilespmem:$0x390]  }
0x75: {  	v52 =	vld [tilespmem:$0x190]  }
0x76: {  	v53 =	vld [tilespmem:$0x3A0]  }
0x77: {  	v54 =	vld [tilespmem:$0x1A0]  }
0x78: {  	v55 =	vld [tilespmem:$0x3B0]  }
0x79: {  	v56 =	vld [tilespmem:$0x1B0]  }
0x7a: {  	v57 =	vld [tilespmem:$0x3C0]  }
0x7b: {  	v58 =	vld [tilespmem:$0x1C0]  }
0x7c: {  	v59 =	vld [tilespmem:$0x3D0]  }
0x7d: {  	v60 =	vld [tilespmem:$0x1D0]  }
0x7e: {  	v61 =	vld [tilespmem:$0x3E0];
	v1 =	vshll.u32 v1, $0x9  }
0x7f: {  	v62 =	vld [tilespmem:$0x3F0];
	v1 =	vadd.s32 v2, v1;
	v2 =	vshll.u32 v3, $0x9  }
0x80: {  	v3 =	vld [tilespmem:$0x1E0];
	[tilespmem:$0x400] =	vst v1;
	v1 =	vadd.s32 v52, v2;
	v2 =	vshll.u32 v53, $0x9  }
0x81: {  	v63 =	vld [tilespmem:$0x1F0];
	[tilespmem:$0x410] =	vst v1;
	v1 =	vadd.s32 v54, v2;
	v2 =	vshll.u32 v55, $0x9  }
0x82: {  	[tilespmem:$0x420] =	vst v1;
	v1 =	vadd.s32 v56, v2;
	v2 =	vshll.u32 v57, $0x9  }
0x83: {  	[tilespmem:$0x430] =	vst v1;
	v1 =	vadd.s32 v58, v2;
	v2 =	vshll.u32 v59, $0x9  }
0x84: {  	[tilespmem:$0x440] =	vst v1;
	v1 =	vadd.s32 v60, v2;
	v2 =	vshll.u32 v61, $0x9  }
0x85: {  	[tilespmem:$0x450] =	vst v1;
	v1 =	vadd.s32 v3, v2;
	v2 =	vshll.u32 v62, $0x9  }
0x86: {  	[tilespmem:$0x460] =	vst v1;
	v1 =	vadd.s32 v63, v2  }
0x87: {  	[tilespmem:$0x470] =	vst v1  }
0x88: {  	[spmem:s1] =	stream.indirect.scatter.add.f32 [tilespmem:s15], [sflag:$0x1], $0x1, s14, s13, $0xb8;
	[tilespmem:$0x4500] =	vst v63  }
0x89: {  	_ =	swait.ge [sflag:s11], $0x80  }
0x8a: {  	[sflag:s11] =	ssyncset.done $0x0  }
0x8b: {  	p0 =	sne.s32 s9, $0x1;
	[sflag:s11] =	ssyncadd.s32 $0xFFFFFF80  }
.Ltmp0:
0x8c: {  	[bflag:$0x0] =	sbarrier.arrive $0xFFFF;
	(pc) =	sbr.rel @p0 .LBB2_1-.Ltmp0, $4  }
0x8d: {  	[hbm:s8@s16], [sflag:s6] =	dma.strided [spmem:s10@s17], $0x800, s11, $0x10   }
0x8e: {  	_ =	swait.ge [sflag:s11], $0x800  }
0x8f: {  	[sflag:s11] =	ssyncset.done $0x0  }
0x90: {  	s9 =	sadd.s32 $0xFFFFFFFF, s9;
	[sflag:s11] =	ssyncadd.s32 $0xFFFFF800  }
0x91: {  	_ =	sfence.sel $0x180000  }
0x92: {  	[bflag:$0x0] =	sbarrier.arrive $0xFFFF  }
0x93: {  	p0 =	sne.s32 s3, $0x0;
	_ =	strace $0x90000047  }
0x94: {  	s0 =	sadd.s32 @!p0 $0x100000, s0;
	[bflag:$0x2] =	sbarrier.arrive $0xFFFF  }
0x95: {  	[sflag:s0] =	ssyncadd.tile.s32 @!p0 $0x1;
	_ =	shalt  }
.Lfunc_end2:
_tile_overlayer_lowered:
.L_overlay_start_2:
0x96: {  	(tag) =	ssettag $0x2  }
0x97: {  	s0 =	rddreg [dreg:$0x0];
	s2 =	stileid.u32  }
0x98: {  	s1 =	rddreg [dreg:$0x1];
	p0 =	sne.s32 s2, $0x0  }
0x99: {  	s3 =	rddreg [dreg:$0x2];
	[bflag:$0x3] =	sbarrier.arrive $0xFFFF;
	s2 =	simm.s32 @!p0 $0x1C01  }
0x9a: {  	[timem:s3], [sflag:s2] =	dma.local @!p0 [hbm:s0], s1  }
0x9b: {  	s0 =	simm.s32 @!p0 $0x1  }
0x9c: {  	_ =	swait.ge @!p0 [sflag:s0], s1  }
0x9d: {  	s1 =	ssub.s32 @!p0 $0x0, s1;
	[sflag:s0] =	ssyncset.done @!p0 $0x0  }
0x9e: {  	[sflag:s0] =	ssyncadd.s32 @!p0 s1  }
0x9f: {  	[bflag:$0x3] =	sbarrier.arrive $0xFFFF  }
0xa0: {  	_ =	shalt  }

</sc_bundles>
